<compile_context>
chip_gen: v7x
topology: tpu7x:2x2x1
jax: 0.10.2.dev20260603
libtpu: 0.0.44.dev20260713+nightly
codegen_flags: <defaults>
</compile_context>

<pallas_src>
import functools

import jax
import jax.numpy as jnp
from jax import lax
from jax.experimental import pallas as pl
from jax.experimental.pallas import tpu as pltpu
from jax.experimental.pallas import tpu_sc as plsc

H = 128
S_SEG = 1024
NC = 2
NS = 16
NW = NC * NS
ROW = 128


def _tanh_f32(x):
    x2 = x * x
    p = jnp.float32(-8.60467152213735e-11)
    for c in (5.12229709037114e-08, 1.48572235717979e-05,
              6.37261928875436e-04, 4.89352455891786e-03):
        p = p * x2 + jnp.float32(c)
    q = jnp.float32(1.19825839466702e-06)
    for c in (1.18534705686654e-04, 2.26843463243900e-03,
              4.89352518554385e-03):
        q = q * x2 + jnp.float32(c)
    return x * p / q


def _dense_body(posT_ref, w1t_ref, w1w2_ref, csumT_ref, w2r_ref,
                fT_ref, valsT_ref):
    pT = posT_ref[...]
    w1t = w1t_ref[...]
    w1w2 = w1w2_ref[...]
    csumT = csumT_ref[...]
    w2r = w2r_ref[...]
    x = jnp.dot(w1t, pT, preferred_element_type=jnp.float32)
    tT = _tanh_f32(x)
    e = jnp.dot(w2r, tT, preferred_element_type=jnp.float32)
    fT = jnp.dot(w1w2, tT * tT, preferred_element_type=jnp.float32) - csumT
    fT_ref[...] = fT
    rows = [e]
    for a in range(3):
        pa = pT[a:a + 1, :]
        for b in range(3):
            rows.append(pa * fT[b:b + 1, :])
    rows.append(jnp.zeros((6, pT.shape[1]), jnp.float32))
    valsT_ref[...] = jnp.concatenate(rows, axis=0)


def _dense_stage(posT, w1t, w1w2, csumT, w2r, n_pad, block_b):
    nb = n_pad // block_b
    return pl.pallas_call(
        _dense_body,
        grid=(nb,),
        in_specs=[
            pl.BlockSpec((3, block_b), lambda i: (0, i)),
            pl.BlockSpec((H, 3), lambda i: (0, 0)),
            pl.BlockSpec((3, H), lambda i: (0, 0)),
            pl.BlockSpec((3, 1), lambda i: (0, 0)),
            pl.BlockSpec((1, H), lambda i: (0, 0)),
        ],
        out_specs=[
            pl.BlockSpec((3, block_b), lambda i: (0, i)),
            pl.BlockSpec((16, block_b), lambda i: (0, i)),
        ],
        out_shape=[
            jax.ShapeDtypeStruct((3, n_pad), jnp.float32),
            jax.ShapeDtypeStruct((16, n_pad), jnp.float32),
        ],
    )(posT, w1t, w1w2, csumT, w2r)


def _sc_scatter_body(rows_per_tile, vals_hbm, ids_hbm, out_hbm,
                     vals_v, ids_v, stage_v, acc_sh, sem):
    cid = lax.axis_index("c")
    sid = lax.axis_index("s")
    wid = cid * NS + sid
    chunk = S_SEG // NS

    zero = jnp.zeros((16,), jnp.float32)
    for r in range(chunk):
        stage_v[r, :] = zero
    pltpu.sync_copy(stage_v, acc_sh.at[pl.ds(sid * chunk, chunk)])
    plsc.subcore_barrier()

    atoms = rows_per_tile * ROW
    pltpu.sync_copy(vals_hbm.at[pl.ds(wid * atoms, atoms)], vals_v)
    pltpu.sync_copy(ids_hbm.at[wid], ids_v)

    FIRE = 5
    nfull = rows_per_tile // FIRE

    def fire_batch(c, carry):
        base = c * FIRE
        cps = [pltpu.async_copy(vals_v.at[pl.ds((base + k) * ROW, ROW)],
                                acc_sh.at[ids_v.at[base + k]], sem, add=True)
               for k in range(FIRE)]
        for cp in cps:
            cp.wait()
        return carry
    lax.fori_loop(0, nfull, fire_batch, 0)
    for j in range(nfull * FIRE, rows_per_tile):
        pltpu.sync_copy(vals_v.at[pl.ds(j * ROW, ROW)],
                        acc_sh.at[ids_v.at[j]], add=True)
    plsc.subcore_barrier()

    pltpu.sync_copy(acc_sh.at[pl.ds(sid * chunk, chunk)], stage_v)
    pltpu.sync_copy(stage_v,
                    out_hbm.at[pl.ds(cid * S_SEG + sid * chunk, chunk)])


def _sc_scatter_stage(vals, ids2d, rows_per_tile):
    mesh = plsc.VectorSubcoreMesh(core_axis_name="c", subcore_axis_name="s")
    atoms = rows_per_tile * ROW
    chunk = S_SEG // NS
    kern = pl.kernel(
        functools.partial(_sc_scatter_body, rows_per_tile),
        out_type=jax.ShapeDtypeStruct((NC * S_SEG, 16), jnp.float32),
        mesh=mesh,
        scratch_types=[
            pltpu.VMEM((atoms, 16), jnp.float32),
            pltpu.VMEM((rows_per_tile, ROW), jnp.int32),
            pltpu.VMEM((chunk, 16), jnp.float32),
            pltpu.VMEM_SHARED((S_SEG, 16), jnp.float32),
            pltpu.SemaphoreType.DMA,
        ],
        compiler_params=pltpu.CompilerParams(use_tc_tiling_on_sc=False),
    )
    return kern(vals, ids2d)


def _finish_body(parts_ref, lat_ref, e_ref, st_ref):
    a = parts_ref[0] + parts_ref[1]
    e_ref[...] = a[:, 0:1]
    l = lat_ref[...]
    c0 = l[:, 4:5] * l[:, 8:9] - l[:, 5:6] * l[:, 7:8]
    c1 = l[:, 5:6] * l[:, 6:7] - l[:, 3:4] * l[:, 8:9]
    c2 = l[:, 3:4] * l[:, 7:8] - l[:, 4:5] * l[:, 6:7]
    vol = jnp.abs(l[:, 0:1] * c0 + l[:, 1:2] * c1 + l[:, 2:3] * c2)
    st = jnp.concatenate(
        [a[:, 1:2], a[:, 5:6], a[:, 9:10],
         a[:, 6:7], a[:, 7:8], a[:, 2:3]], axis=1)
    st_ref[...] = st / vol


def _finish_stage(parts, lat9, block_s=128):
    nb = S_SEG // block_s
    return pl.pallas_call(
        _finish_body,
        grid=(nb,),
        in_specs=[
            pl.BlockSpec((2, block_s, 16), lambda i: (0, i, 0)),
            pl.BlockSpec((block_s, 9), lambda i: (i, 0)),
        ],
        out_specs=[
            pl.BlockSpec((block_s, 1), lambda i: (i, 0)),
            pl.BlockSpec((block_s, 6), lambda i: (i, 0)),
        ],
        out_shape=[
            jax.ShapeDtypeStruct((S_SEG, 1), jnp.float32),
            jax.ShapeDtypeStruct((S_SEG, 6), jnp.float32),
        ],
    )(parts.reshape(NC, S_SEG, 16), lat9)


def kernel(pos, lattice, W1, W2, batch):
    n = pos.shape[0]
    rows_per_tile = -(-n // (NW * ROW))
    n_pad = NW * ROW * rows_per_tile
    pos_pad = jnp.zeros((n_pad, 3), jnp.float32).at[:n].set(pos)
    ids_pad = jnp.zeros((n_pad,), jnp.int32).at[:n].set(batch)
    ids3d = ids_pad.reshape(NW, rows_per_tile, ROW)
    posT = jnp.transpose(pos_pad)
    w1t = jnp.transpose(W1)
    w1w2 = W1 * W2.reshape(1, H)
    csumT = jnp.sum(w1w2, axis=1).reshape(3, 1)
    w2r = W2.reshape(1, H)
    lat9 = lattice.reshape(S_SEG, 9)

    fT, valsT = _dense_stage(posT, w1t, w1w2, csumT, w2r, n_pad, 12800)
    vals = jnp.transpose(valsT)
    parts = _sc_scatter_stage(vals, ids3d, rows_per_tile)
    e2d, stresses = _finish_stage(parts, lat9)
    return (e2d[:, 0], jnp.transpose(fT[:, :n]), stresses)

# --- scband reference (transcript-rebuilt; emitter-appended) ---
"""Pipeline reference for scband-gradient-24008867185275 (READ-ONLY COPY).

The authoritative reference and input builder live on the scoring server;
editing this copy changes nothing except your own understanding.
"""

import jax, jax.numpy as jnp
import numpy as np

N = 100000
S = 1024
H = 128

def setup_inputs(seed: int = 0):
    key = jax.random.key(seed)
    k1, k2, k3, k4, k5 = jax.random.split(key, 5)
    pos = jax.random.normal(k1, (N, 3), dtype=jnp.float32)
    batch = jnp.sort(jax.random.randint(k2, (N,), 0, S, dtype=jnp.int32))
    lattice = jax.random.normal(k3, (S, 3, 3), dtype=jnp.float32) + 4.0 * jnp.eye(3, dtype=jnp.float32)[None, :, :]
    W1 = 0.1 * jax.random.normal(k4, (3, H), dtype=jnp.float32)
    W2 = 0.1 * jax.random.normal(k5, (H,), dtype=jnp.float32)
    return {"pos": pos, "lattice": lattice, "W1": W1, "W2": W2, "batch": batch}

def reference(pos, lattice, W1, W2, batch):
    # Surrogate interatomic energy model (stands in for self.model):
    # per-atom energy e_i = tanh(pos_i @ W1) @ W2, per-structure energy via segment_sum.
    def energy_fn(p):
        e_atom = jnp.tanh(p @ W1) @ W2
        e_struct = jax.ops.segment_sum(e_atom, batch, num_segments=S)
        return jnp.sum(e_struct), e_struct
    grads, e_struct = jax.grad(energy_fn, has_aux=True)(pos)
    forces = -grads
    # stresses = scatter_sum(pos[:, :, None] * forces[:, None, :], index=batch, dim_size=S)
    outer = pos[:, :, None] * forces[:, None, :]
    stresses_mat = jax.ops.segment_sum(outer, batch, num_segments=S)
    volumes = jnp.abs(jnp.sum(lattice[:, 0] * jnp.cross(lattice[:, 1], lattice[:, 2]), axis=1))
    voigt = jnp.stack([
        stresses_mat[:, 0, 0], stresses_mat[:, 1, 1], stresses_mat[:, 2, 2],
        stresses_mat[:, 1, 2], stresses_mat[:, 2, 0], stresses_mat[:, 0, 1],
    ], axis=0)  # [6, S] like torch.vstack
    stresses = jnp.transpose(voigt / volumes[None, :], (1, 0))  # [S, 6]
    return (e_struct, forces, stresses)

if __name__ == "__main__":
    import jax
    _d = setup_inputs()
    print(jax.jit(kernel)(*tuple(_d.values())))

</pallas_src>

<mosaic_0001>
#map = affine_map<(d0, d1) -> (0, 0)>
#map1 = affine_map<(d0, d1) -> (0, 0, 0)>
module attributes {stable_mosaic.version = 14 : i64} {
  func.func @_sc_scatter_body(%arg0: i32, %arg1: i32, %arg2: memref<102400x16xf32, #tpu.memory_space<hbm>>, %arg3: memref<32x25x128xi32, #tpu.memory_space<hbm>>, %arg4: memref<2048x16xf32, #tpu.memory_space<hbm>>, %arg5: memref<3200x16xf32, #tpu.memory_space<vmem>>, %arg6: memref<25x128xi32, #tpu.memory_space<vmem>>, %arg7: memref<64x16xf32, #tpu.memory_space<vmem>>, %arg8: memref<1024x16xf32, #tpu.memory_space<vmem_shared>>, %arg9: memref<!tpu.dma_semaphore, #tpu.memory_space<semaphore_mem>>) attributes {dimension_semantics = [#tpu.dimension_semantics<core_parallel>, #tpu.dimension_semantics<subcore_parallel>], iteration_bounds = array<i64: 2, 16>, scalar_prefetch = 0 : i64, scratch_operands = 5 : i64, tpu.core_type = #tpu.core_type<sc_vector_subcore>, window_params = [{transform_indices = #map}, {transform_indices = #map1}, {transform_indices = #map}]} {
    %mul3A = arith.constant 16 : i32
    %mul3A_0 = arith.muli %arg0, %mul3A : i32
    %add3A = arith.addi %mul3A_0, %arg1 : i32
    %broadcast_in_dim3A = arith.constant 0.000000e+00 : f32
    %broadcast_in_dim3A_1 = vector.broadcast %broadcast_in_dim3A : f32 to vector<16xf32>
    %swap3A = arith.constant 0 : i32
    %swap3A_2 = arith.index_cast %swap3A : i32 to index
    %swap3A_3 = arith.constant 0 : index
    %swap3A_4 = tpu.vector_load %arg7[%swap3A_2, %swap3A_3] {strides = array<i32>} : memref<64x16xf32, #tpu.memory_space<vmem>>, vector<1x16xf32>,
    %swap3A_5 = vector.shape_cast %swap3A_4 : vector<1x16xf32> to vector<16xf32>
    %swap3A_6 = vector.shape_cast %broadcast_in_dim3A_1 : vector<16xf32> to vector<1x16xf32>
    tpu.vector_store %arg7[%swap3A_2, %swap3A_3], %swap3A_6 {strides = array<i32>} : memref<64x16xf32, #tpu.memory_space<vmem>>, vector<1x16xf32>,
    %swap3A_7 = arith.constant 1 : i32
    %swap3A_8 = arith.index_cast %swap3A_7 : i32 to index
    %swap3A_9 = arith.constant 0 : index
    %swap3A_10 = tpu.vector_load %arg7[%swap3A_8, %swap3A_9] {strides = array<i32>} : memref<64x16xf32, #tpu.memory_space<vmem>>, vector<1x16xf32>,
    %swap3A_11 = vector.shape_cast %swap3A_10 : vector<1x16xf32> to vector<16xf32>
    %swap3A_12 = vector.shape_cast %broadcast_in_dim3A_1 : vector<16xf32> to vector<1x16xf32>
    tpu.vector_store %arg7[%swap3A_8, %swap3A_9], %swap3A_12 {strides = array<i32>} : memref<64x16xf32, #tpu.memory_space<vmem>>, vector<1x16xf32>,
    %swap3A_13 = arith.constant 2 : i32
    %swap3A_14 = arith.index_cast %swap3A_13 : i32 to index
    %swap3A_15 = arith.constant 0 : index
    %swap3A_16 = tpu.vector_load %arg7[%swap3A_14, %swap3A_15] {strides = array<i32>} : memref<64x16xf32, #tpu.memory_space<vmem>>, vector<1x16xf32>,
    %swap3A_17 = vector.shape_cast %swap3A_16 : vector<1x16xf32> to vector<16xf32>
    %swap3A_18 = vector.shape_cast %broadcast_in_dim3A_1 : vector<16xf32> to vector<1x16xf32>
    tpu.vector_store %arg7[%swap3A_14, %swap3A_15], %swap3A_18 {strides = array<i32>} : memref<64x16xf32, #tpu.memory_space<vmem>>, vector<1x16xf32>,
    %swap3A_19 = arith.constant 3 : i32
    %swap3A_20 = arith.index_cast %swap3A_19 : i32 to index
    %swap3A_21 = arith.constant 0 : index
    %swap3A_22 = tpu.vector_load %arg7[%swap3A_20, %swap3A_21] {strides = array<i32>} : memref<64x16xf32, #tpu.memory_space<vmem>>, vector<1x16xf32>,
    %swap3A_23 = vector.shape_cast %swap3A_22 : vector<1x16xf32> to vector<16xf32>
    %swap3A_24 = vector.shape_cast %broadcast_in_dim3A_1 : vector<16xf32> to vector<1x16xf32>
    tpu.vector_store %arg7[%swap3A_20, %swap3A_21], %swap3A_24 {strides = array<i32>} : memref<64x16xf32, #tpu.memory_space<vmem>>, vector<1x16xf32>,
    %swap3A_25 = arith.constant 4 : i32
    %swap3A_26 = arith.index_cast %swap3A_25 : i32 to index
    %swap3A_27 = arith.constant 0 : index
    %swap3A_28 = tpu.vector_load %arg7[%swap3A_26, %swap3A_27] {strides = array<i32>} : memref<64x16xf32, #tpu.memory_space<vmem>>, vector<1x16xf32>,
    %swap3A_29 = vector.shape_cast %swap3A_28 : vector<1x16xf32> to vector<16xf32>
    %swap3A_30 = vector.shape_cast %broadcast_in_dim3A_1 : vector<16xf32> to vector<1x16xf32>
    tpu.vector_store %arg7[%swap3A_26, %swap3A_27], %swap3A_30 {strides = array<i32>} : memref<64x16xf32, #tpu.memory_space<vmem>>, vector<1x16xf32>,
    %swap3A_31 = arith.constant 5 : i32
    %swap3A_32 = arith.index_cast %swap3A_31 : i32 to index
    %swap3A_33 = arith.constant 0 : index
    %swap3A_34 = tpu.vector_load %arg7[%swap3A_32, %swap3A_33] {strides = array<i32>} : memref<64x16xf32, #tpu.memory_space<vmem>>, vector<1x16xf32>,
    %swap3A_35 = vector.shape_cast %swap3A_34 : vector<1x16xf32> to vector<16xf32>
    %swap3A_36 = vector.shape_cast %broadcast_in_dim3A_1 : vector<16xf32> to vector<1x16xf32>
    tpu.vector_store %arg7[%swap3A_32, %swap3A_33], %swap3A_36 {strides = array<i32>} : memref<64x16xf32, #tpu.memory_space<vmem>>, vector<1x16xf32>,
    %swap3A_37 = arith.constant 6 : i32
    %swap3A_38 = arith.index_cast %swap3A_37 : i32 to index
    %swap3A_39 = arith.constant 0 : index
    %swap3A_40 = tpu.vector_load %arg7[%swap3A_38, %swap3A_39] {strides = array<i32>} : memref<64x16xf32, #tpu.memory_space<vmem>>, vector<1x16xf32>,
    %swap3A_41 = vector.shape_cast %swap3A_40 : vector<1x16xf32> to vector<16xf32>
    %swap3A_42 = vector.shape_cast %broadcast_in_dim3A_1 : vector<16xf32> to vector<1x16xf32>
    tpu.vector_store %arg7[%swap3A_38, %swap3A_39], %swap3A_42 {strides = array<i32>} : memref<64x16xf32, #tpu.memory_space<vmem>>, vector<1x16xf32>,
    %swap3A_43 = arith.constant 7 : i32
    %swap3A_44 = arith.index_cast %swap3A_43 : i32 to index
    %swap3A_45 = arith.constant 0 : index
    %swap3A_46 = tpu.vector_load %arg7[%swap3A_44, %swap3A_45] {strides = array<i32>} : memref<64x16xf32, #tpu.memory_space<vmem>>, vector<1x16xf32>,
    %swap3A_47 = vector.shape_cast %swap3A_46 : vector<1x16xf32> to vector<16xf32>
    %swap3A_48 = vector.shape_cast %broadcast_in_dim3A_1 : vector<16xf32> to vector<1x16xf32>
    tpu.vector_store %arg7[%swap3A_44, %swap3A_45], %swap3A_48 {strides = array<i32>} : memref<64x16xf32, #tpu.memory_space<vmem>>, vector<1x16xf32>,
    %swap3A_49 = arith.constant 8 : i32
    %swap3A_50 = arith.index_cast %swap3A_49 : i32 to index
    %swap3A_51 = arith.constant 0 : index
    %swap3A_52 = tpu.vector_load %arg7[%swap3A_50, %swap3A_51] {strides = array<i32>} : memref<64x16xf32, #tpu.memory_space<vmem>>, vector<1x16xf32>,
    %swap3A_53 = vector.shape_cast %swap3A_52 : vector<1x16xf32> to vector<16xf32>
    %swap3A_54 = vector.shape_cast %broadcast_in_dim3A_1 : vector<16xf32> to vector<1x16xf32>
    tpu.vector_store %arg7[%swap3A_50, %swap3A_51], %swap3A_54 {strides = array<i32>} : memref<64x16xf32, #tpu.memory_space<vmem>>, vector<1x16xf32>,
    %swap3A_55 = arith.constant 9 : i32
    %swap3A_56 = arith.index_cast %swap3A_55 : i32 to index
    %swap3A_57 = arith.constant 0 : index
    %swap3A_58 = tpu.vector_load %arg7[%swap3A_56, %swap3A_57] {strides = array<i32>} : memref<64x16xf32, #tpu.memory_space<vmem>>, vector<1x16xf32>,
    %swap3A_59 = vector.shape_cast %swap3A_58 : vector<1x16xf32> to vector<16xf32>
    %swap3A_60 = vector.shape_cast %broadcast_in_dim3A_1 : vector<16xf32> to vector<1x16xf32>
    tpu.vector_store %arg7[%swap3A_56, %swap3A_57], %swap3A_60 {strides = array<i32>} : memref<64x16xf32, #tpu.memory_space<vmem>>, vector<1x16xf32>,
    %swap3A_61 = arith.constant 10 : i32
    %swap3A_62 = arith.index_cast %swap3A_61 : i32 to index
    %swap3A_63 = arith.constant 0 : index
    %swap3A_64 = tpu.vector_load %arg7[%swap3A_62, %swap3A_63] {strides = array<i32>} : memref<64x16xf32, #tpu.memory_space<vmem>>, vector<1x16xf32>,
    %swap3A_65 = vector.shape_cast %swap3A_64 : vector<1x16xf32> to vector<16xf32>
    %swap3A_66 = vector.shape_cast %broadcast_in_dim3A_1 : vector<16xf32> to vector<1x16xf32>
    tpu.vector_store %arg7[%swap3A_62, %swap3A_63], %swap3A_66 {strides = array<i32>} : memref<64x16xf32, #tpu.memory_space<vmem>>, vector<1x16xf32>,
    %swap3A_67 = arith.constant 11 : i32
    %swap3A_68 = arith.index_cast %swap3A_67 : i32 to index
    %swap3A_69 = arith.constant 0 : index
    %swap3A_70 = tpu.vector_load %arg7[%swap3A_68, %swap3A_69] {strides = array<i32>} : memref<64x16xf32, #tpu.memory_space<vmem>>, vector<1x16xf32>,
    %swap3A_71 = vector.shape_cast %swap3A_70 : vector<1x16xf32> to vector<16xf32>
    %swap3A_72 = vector.shape_cast %broadcast_in_dim3A_1 : vector<16xf32> to vector<1x16xf32>
    tpu.vector_store %arg7[%swap3A_68, %swap3A_69], %swap3A_72 {strides = array<i32>} : memref<64x16xf32, #tpu.memory_space<vmem>>, vector<1x16xf32>,
    %swap3A_73 = arith.constant 12 : i32
    %swap3A_74 = arith.index_cast %swap3A_73 : i32 to index
    %swap3A_75 = arith.constant 0 : index
    %swap3A_76 = tpu.vector_load %arg7[%swap3A_74, %swap3A_75] {strides = array<i32>} : memref<64x16xf32, #tpu.memory_space<vmem>>, vector<1x16xf32>,
    %swap3A_77 = vector.shape_cast %swap3A_76 : vector<1x16xf32> to vector<16xf32>
    %swap3A_78 = vector.shape_cast %broadcast_in_dim3A_1 : vector<16xf32> to vector<1x16xf32>
    tpu.vector_store %arg7[%swap3A_74, %swap3A_75], %swap3A_78 {strides = array<i32>} : memref<64x16xf32, #tpu.memory_space<vmem>>, vector<1x16xf32>,
    %swap3A_79 = arith.constant 13 : i32
    %swap3A_80 = arith.index_cast %swap3A_79 : i32 to index
    %swap3A_81 = arith.constant 0 : index
    %swap3A_82 = tpu.vector_load %arg7[%swap3A_80, %swap3A_81] {strides = array<i32>} : memref<64x16xf32, #tpu.memory_space<vmem>>, vector<1x16xf32>,
    %swap3A_83 = vector.shape_cast %swap3A_82 : vector<1x16xf32> to vector<16xf32>
    %swap3A_84 = vector.shape_cast %broadcast_in_dim3A_1 : vector<16xf32> to vector<1x16xf32>
    tpu.vector_store %arg7[%swap3A_80, %swap3A_81], %swap3A_84 {strides = array<i32>} : memref<64x16xf32, #tpu.memory_space<vmem>>, vector<1x16xf32>,
    %swap3A_85 = arith.constant 14 : i32
    %swap3A_86 = arith.index_cast %swap3A_85 : i32 to index
    %swap3A_87 = arith.constant 0 : index
    %swap3A_88 = tpu.vector_load %arg7[%swap3A_86, %swap3A_87] {strides = array<i32>} : memref<64x16xf32, #tpu.memory_space<vmem>>, vector<1x16xf32>,
    %swap3A_89 = vector.shape_cast %swap3A_88 : vector<1x16xf32> to vector<16xf32>
    %swap3A_90 = vector.shape_cast %broadcast_in_dim3A_1 : vector<16xf32> to vector<1x16xf32>
    tpu.vector_store %arg7[%swap3A_86, %swap3A_87], %swap3A_90 {strides = array<i32>} : memref<64x16xf32, #tpu.memory_space<vmem>>, vector<1x16xf32>,
    %swap3A_91 = arith.constant 15 : i32
    %swap3A_92 = arith.index_cast %swap3A_91 : i32 to index
    %swap3A_93 = arith.constant 0 : index
    %swap3A_94 = tpu.vector_load %arg7[%swap3A_92, %swap3A_93] {strides = array<i32>} : memref<64x16xf32, #tpu.memory_space<vmem>>, vector<1x16xf32>,
    %swap3A_95 = vector.shape_cast %swap3A_94 : vector<1x16xf32> to vector<16xf32>
    %swap3A_96 = vector.shape_cast %broadcast_in_dim3A_1 : vector<16xf32> to vector<1x16xf32>
    tpu.vector_store %arg7[%swap3A_92, %swap3A_93], %swap3A_96 {strides = array<i32>} : memref<64x16xf32, #tpu.memory_space<vmem>>, vector<1x16xf32>,
    %swap3A_97 = arith.constant 16 : i32
    %swap3A_98 = arith.index_cast %swap3A_97 : i32 to index
    %swap3A_99 = arith.constant 0 : index
    %swap3A_100 = tpu.vector_load %arg7[%swap3A_98, %swap3A_99] {strides = array<i32>} : memref<64x16xf32, #tpu.memory_space<vmem>>, vector<1x16xf32>,
    %swap3A_101 = vector.shape_cast %swap3A_100 : vector<1x16xf32> to vector<16xf32>
    %swap3A_102 = vector.shape_cast %broadcast_in_dim3A_1 : vector<16xf32> to vector<1x16xf32>
    tpu.vector_store %arg7[%swap3A_98, %swap3A_99], %swap3A_102 {strides = array<i32>} : memref<64x16xf32, #tpu.memory_space<vmem>>, vector<1x16xf32>,
    %swap3A_103 = arith.constant 17 : i32
    %swap3A_104 = arith.index_cast %swap3A_103 : i32 to index
    %swap3A_105 = arith.constant 0 : index
    %swap3A_106 = tpu.vector_load %arg7[%swap3A_104, %swap3A_105] {strides = array<i32>} : memref<64x16xf32, #tpu.memory_space<vmem>>, vector<1x16xf32>,
    %swap3A_107 = vector.shape_cast %swap3A_106 : vector<1x16xf32> to vector<16xf32>
    %swap3A_108 = vector.shape_cast %broadcast_in_dim3A_1 : vector<16xf32> to vector<1x16xf32>
    tpu.vector_store %arg7[%swap3A_104, %swap3A_105], %swap3A_108 {strides = array<i32>} : memref<64x16xf32, #tpu.memory_space<vmem>>, vector<1x16xf32>,
    %swap3A_109 = arith.constant 18 : i32
    %swap3A_110 = arith.index_cast %swap3A_109 : i32 to index
    %swap3A_111 = arith.constant 0 : index
    %swap3A_112 = tpu.vector_load %arg7[%swap3A_110, %swap3A_111] {strides = array<i32>} : memref<64x16xf32, #tpu.memory_space<vmem>>, vector<1x16xf32>,
    %swap3A_113 = vector.shape_cast %swap3A_112 : vector<1x16xf32> to vector<16xf32>
    %swap3A_114 = vector.shape_cast %broadcast_in_dim3A_1 : vector<16xf32> to vector<1x16xf32>
    tpu.vector_store %arg7[%swap3A_110, %swap3A_111], %swap3A_114 {strides = array<i32>} : memref<64x16xf32, #tpu.memory_space<vmem>>, vector<1x16xf32>,
    %swap3A_115 = arith.constant 19 : i32
    %swap3A_116 = arith.index_cast %swap3A_115 : i32 to index
    %swap3A_117 = arith.constant 0 : index
    %swap3A_118 = tpu.vector_load %arg7[%swap3A_116, %swap3A_117] {strides = array<i32>} : memref<64x16xf32, #tpu.memory_space<vmem>>, vector<1x16xf32>,
    %swap3A_119 = vector.shape_cast %swap3A_118 : vector<1x16xf32> to vector<16xf32>
    %swap3A_120 = vector.shape_cast %broadcast_in_dim3A_1 : vector<16xf32> to vector<1x16xf32>
    tpu.vector_store %arg7[%swap3A_116, %swap3A_117], %swap3A_120 {strides = array<i32>} : memref<64x16xf32, #tpu.memory_space<vmem>>, vector<1x16xf32>,
    %swap3A_121 = arith.constant 20 : i32
    %swap3A_122 = arith.index_cast %swap3A_121 : i32 to index
    %swap3A_123 = arith.constant 0 : index
    %swap3A_124 = tpu.vector_load %arg7[%swap3A_122, %swap3A_123] {strides = array<i32>} : memref<64x16xf32, #tpu.memory_space<vmem>>, vector<1x16xf32>,
    %swap3A_125 = vector.shape_cast %swap3A_124 : vector<1x16xf32> to vector<16xf32>
    %swap3A_126 = vector.shape_cast %broadcast_in_dim3A_1 : vector<16xf32> to vector<1x16xf32>
    tpu.vector_store %arg7[%swap3A_122, %swap3A_123], %swap3A_126 {strides = array<i32>} : memref<64x16xf32, #tpu.memory_space<vmem>>, vector<1x16xf32>,
    %swap3A_127 = arith.constant 21 : i32
    %swap3A_128 = arith.index_cast %swap3A_127 : i32 to index
    %swap3A_129 = arith.constant 0 : index
    %swap3A_130 = tpu.vector_load %arg7[%swap3A_128, %swap3A_129] {strides = array<i32>} : memref<64x16xf32, #tpu.memory_space<vmem>>, vector<1x16xf32>,
    %swap3A_131 = vector.shape_cast %swap3A_130 : vector<1x16xf32> to vector<16xf32>
    %swap3A_132 = vector.shape_cast %broadcast_in_dim3A_1 : vector<16xf32> to vector<1x16xf32>
    tpu.vector_store %arg7[%swap3A_128, %swap3A_129], %swap3A_132 {strides = array<i32>} : memref<64x16xf32, #tpu.memory_space<vmem>>, vector<1x16xf32>,
    %swap3A_133 = arith.constant 22 : i32
    %swap3A_134 = arith.index_cast %swap3A_133 : i32 to index
    %swap3A_135 = arith.constant 0 : index
    %swap3A_136 = tpu.vector_load %arg7[%swap3A_134, %swap3A_135] {strides = array<i32>} : memref<64x16xf32, #tpu.memory_space<vmem>>, vector<1x16xf32>,
    %swap3A_137 = vector.shape_cast %swap3A_136 : vector<1x16xf32> to vector<16xf32>
    %swap3A_138 = vector.shape_cast %broadcast_in_dim3A_1 : vector<16xf32> to vector<1x16xf32>
    tpu.vector_store %arg7[%swap3A_134, %swap3A_135], %swap3A_138 {strides = array<i32>} : memref<64x16xf32, #tpu.memory_space<vmem>>, vector<1x16xf32>,
    %swap3A_139 = arith.constant 23 : i32
    %swap3A_140 = arith.index_cast %swap3A_139 : i32 to index
    %swap3A_141 = arith.constant 0 : index
    %swap3A_142 = tpu.vector_load %arg7[%swap3A_140, %swap3A_141] {strides = array<i32>} : memref<64x16xf32, #tpu.memory_space<vmem>>, vector<1x16xf32>,
    %swap3A_143 = vector.shape_cast %swap3A_142 : vector<1x16xf32> to vector<16xf32>
    %swap3A_144 = vector.shape_cast %broadcast_in_dim3A_1 : vector<16xf32> to vector<1x16xf32>
    tpu.vector_store %arg7[%swap3A_140, %swap3A_141], %swap3A_144 {strides = array<i32>} : memref<64x16xf32, #tpu.memory_space<vmem>>, vector<1x16xf32>,
    %swap3A_145 = arith.constant 24 : i32
    %swap3A_146 = arith.index_cast %swap3A_145 : i32 to index
    %swap3A_147 = arith.constant 0 : index
    %swap3A_148 = tpu.vector_load %arg7[%swap3A_146, %swap3A_147] {strides = array<i32>} : memref<64x16xf32, #tpu.memory_space<vmem>>, vector<1x16xf32>,
    %swap3A_149 = vector.shape_cast %swap3A_148 : vector<1x16xf32> to vector<16xf32>
    %swap3A_150 = vector.shape_cast %broadcast_in_dim3A_1 : vector<16xf32> to vector<1x16xf32>
    tpu.vector_store %arg7[%swap3A_146, %swap3A_147], %swap3A_150 {strides = array<i32>} : memref<64x16xf32, #tpu.memory_space<vmem>>, vector<1x16xf32>,
    %swap3A_151 = arith.constant 25 : i32
    %swap3A_152 = arith.index_cast %swap3A_151 : i32 to index
    %swap3A_153 = arith.constant 0 : index
    %swap3A_154 = tpu.vector_load %arg7[%swap3A_152, %swap3A_153] {strides = array<i32>} : memref<64x16xf32, #tpu.memory_space<vmem>>, vector<1x16xf32>,
    %swap3A_155 = vector.shape_cast %swap3A_154 : vector<1x16xf32> to vector<16xf32>
    %swap3A_156 = vector.shape_cast %broadcast_in_dim3A_1 : vector<16xf32> to vector<1x16xf32>
    tpu.vector_store %arg7[%swap3A_152, %swap3A_153], %swap3A_156 {strides = array<i32>} : memref<64x16xf32, #tpu.memory_space<vmem>>, vector<1x16xf32>,
    %swap3A_157 = arith.constant 26 : i32
    %swap3A_158 = arith.index_cast %swap3A_157 : i32 to index
    %swap3A_159 = arith.constant 0 : index
    %swap3A_160 = tpu.vector_load %arg7[%swap3A_158, %swap3A_159] {strides = array<i32>} : memref<64x16xf32, #tpu.memory_space<vmem>>, vector<1x16xf32>,
    %swap3A_161 = vector.shape_cast %swap3A_160 : vector<1x16xf32> to vector<16xf32>
    %swap3A_162 = vector.shape_cast %broadcast_in_dim3A_1 : vector<16xf32> to vector<1x16xf32>
    tpu.vector_store %arg7[%swap3A_158, %swap3A_159], %swap3A_162 {strides = array<i32>} : memref<64x16xf32, #tpu.memory_space<vmem>>, vector<1x16xf32>,
    %swap3A_163 = arith.constant 27 : i32
    %swap3A_164 = arith.index_cast %swap3A_163 : i32 to index
    %swap3A_165 = arith.constant 0 : index
    %swap3A_166 = tpu.vector_load %arg7[%swap3A_164, %swap3A_165] {strides = array<i32>} : memref<64x16xf32, #tpu.memory_space<vmem>>, vector<1x16xf32>,
    %swap3A_167 = vector.shape_cast %swap3A_166 : vector<1x16xf32> to vector<16xf32>
    %swap3A_168 = vector.shape_cast %broadcast_in_dim3A_1 : vector<16xf32> to vector<1x16xf32>
    tpu.vector_store %arg7[%swap3A_164, %swap3A_165], %swap3A_168 {strides = array<i32>} : memref<64x16xf32, #tpu.memory_space<vmem>>, vector<1x16xf32>,
    %swap3A_169 = arith.constant 28 : i32
    %swap3A_170 = arith.index_cast %swap3A_169 : i32 to index
    %swap3A_171 = arith.constant 0 : index
    %swap3A_172 = tpu.vector_load %arg7[%swap3A_170, %swap3A_171] {strides = array<i32>} : memref<64x16xf32, #tpu.memory_space<vmem>>, vector<1x16xf32>,
    %swap3A_173 = vector.shape_cast %swap3A_172 : vector<1x16xf32> to vector<16xf32>
    %swap3A_174 = vector.shape_cast %broadcast_in_dim3A_1 : vector<16xf32> to vector<1x16xf32>
    tpu.vector_store %arg7[%swap3A_170, %swap3A_171], %swap3A_174 {strides = array<i32>} : memref<64x16xf32, #tpu.memory_space<vmem>>, vector<1x16xf32>,
    %swap3A_175 = arith.constant 29 : i32
    %swap3A_176 = arith.index_cast %swap3A_175 : i32 to index
    %swap3A_177 = arith.constant 0 : index
    %swap3A_178 = tpu.vector_load %arg7[%swap3A_176, %swap3A_177] {strides = array<i32>} : memref<64x16xf32, #tpu.memory_space<vmem>>, vector<1x16xf32>,
    %swap3A_179 = vector.shape_cast %swap3A_178 : vector<1x16xf32> to vector<16xf32>
    %swap3A_180 = vector.shape_cast %broadcast_in_dim3A_1 : vector<16xf32> to vector<1x16xf32>
    tpu.vector_store %arg7[%swap3A_176, %swap3A_177], %swap3A_180 {strides = array<i32>} : memref<64x16xf32, #tpu.memory_space<vmem>>, vector<1x16xf32>,
    %swap3A_181 = arith.constant 30 : i32
    %swap3A_182 = arith.index_cast %swap3A_181 : i32 to index
    %swap3A_183 = arith.constant 0 : index
    %swap3A_184 = tpu.vector_load %arg7[%swap3A_182, %swap3A_183] {strides = array<i32>} : memref<64x16xf32, #tpu.memory_space<vmem>>, vector<1x16xf32>,
    %swap3A_185 = vector.shape_cast %swap3A_184 : vector<1x16xf32> to vector<16xf32>
    %swap3A_186 = vector.shape_cast %broadcast_in_dim3A_1 : vector<16xf32> to vector<1x16xf32>
    tpu.vector_store %arg7[%swap3A_182, %swap3A_183], %swap3A_186 {strides = array<i32>} : memref<64x16xf32, #tpu.memory_space<vmem>>, vector<1x16xf32>,
    %swap3A_187 = arith.constant 31 : i32
    %swap3A_188 = arith.index_cast %swap3A_187 : i32 to index
    %swap3A_189 = arith.constant 0 : index
    %swap3A_190 = tpu.vector_load %arg7[%swap3A_188, %swap3A_189] {strides = array<i32>} : memref<64x16xf32, #tpu.memory_space<vmem>>, vector<1x16xf32>,
    %swap3A_191 = vector.shape_cast %swap3A_190 : vector<1x16xf32> to vector<16xf32>
    %swap3A_192 = vector.shape_cast %broadcast_in_dim3A_1 : vector<16xf32> to vector<1x16xf32>
    tpu.vector_store %arg7[%swap3A_188, %swap3A_189], %swap3A_192 {strides = array<i32>} : memref<64x16xf32, #tpu.memory_space<vmem>>, vector<1x16xf32>,
    %swap3A_193 = arith.constant 32 : i32
    %swap3A_194 = arith.index_cast %swap3A_193 : i32 to index
    %swap3A_195 = arith.constant 0 : index
    %swap3A_196 = tpu.vector_load %arg7[%swap3A_194, %swap3A_195] {strides = array<i32>} : memref<64x16xf32, #tpu.memory_space<vmem>>, vector<1x16xf32>,
    %swap3A_197 = vector.shape_cast %swap3A_196 : vector<1x16xf32> to vector<16xf32>
    %swap3A_198 = vector.shape_cast %broadcast_in_dim3A_1 : vector<16xf32> to vector<1x16xf32>
    tpu.vector_store %arg7[%swap3A_194, %swap3A_195], %swap3A_198 {strides = array<i32>} : memref<64x16xf32, #tpu.memory_space<vmem>>, vector<1x16xf32>,
    %swap3A_199 = arith.constant 33 : i32
    %swap3A_200 = arith.index_cast %swap3A_199 : i32 to index
    %swap3A_201 = arith.constant 0 : index
    %swap3A_202 = tpu.vector_load %arg7[%swap3A_200, %swap3A_201] {strides = array<i32>} : memref<64x16xf32, #tpu.memory_space<vmem>>, vector<1x16xf32>,
    %swap3A_203 = vector.shape_cast %swap3A_202 : vector<1x16xf32> to vector<16xf32>
    %swap3A_204 = vector.shape_cast %broadcast_in_dim3A_1 : vector<16xf32> to vector<1x16xf32>
    tpu.vector_store %arg7[%swap3A_200, %swap3A_201], %swap3A_204 {strides = array<i32>} : memref<64x16xf32, #tpu.memory_space<vmem>>, vector<1x16xf32>,
    %swap3A_205 = arith.constant 34 : i32
    %swap3A_206 = arith.index_cast %swap3A_205 : i32 to index
    %swap3A_207 = arith.constant 0 : index
    %swap3A_208 = tpu.vector_load %arg7[%swap3A_206, %swap3A_207] {strides = array<i32>} : memref<64x16xf32, #tpu.memory_space<vmem>>, vector<1x16xf32>,
    %swap3A_209 = vector.shape_cast %swap3A_208 : vector<1x16xf32> to vector<16xf32>
    %swap3A_210 = vector.shape_cast %broadcast_in_dim3A_1 : vector<16xf32> to vector<1x16xf32>
    tpu.vector_store %arg7[%swap3A_206, %swap3A_207], %swap3A_210 {strides = array<i32>} : memref<64x16xf32, #tpu.memory_space<vmem>>, vector<1x16xf32>,
    %swap3A_211 = arith.constant 35 : i32
    %swap3A_212 = arith.index_cast %swap3A_211 : i32 to index
    %swap3A_213 = arith.constant 0 : index
    %swap3A_214 = tpu.vector_load %arg7[%swap3A_212, %swap3A_213] {strides = array<i32>} : memref<64x16xf32, #tpu.memory_space<vmem>>, vector<1x16xf32>,
    %swap3A_215 = vector.shape_cast %swap3A_214 : vector<1x16xf32> to vector<16xf32>
    %swap3A_216 = vector.shape_cast %broadcast_in_dim3A_1 : vector<16xf32> to vector<1x16xf32>
    tpu.vector_store %arg7[%swap3A_212, %swap3A_213], %swap3A_216 {strides = array<i32>} : memref<64x16xf32, #tpu.memory_space<vmem>>, vector<1x16xf32>,
    %swap3A_217 = arith.constant 36 : i32
    %swap3A_218 = arith.index_cast %swap3A_217 : i32 to index
    %swap3A_219 = arith.constant 0 : index
    %swap3A_220 = tpu.vector_load %arg7[%swap3A_218, %swap3A_219] {strides = array<i32>} : memref<64x16xf32, #tpu.memory_space<vmem>>, vector<1x16xf32>,
    %swap3A_221 = vector.shape_cast %swap3A_220 : vector<1x16xf32> to vector<16xf32>
    %swap3A_222 = vector.shape_cast %broadcast_in_dim3A_1 : vector<16xf32> to vector<1x16xf32>
    tpu.vector_store %arg7[%swap3A_218, %swap3A_219], %swap3A_222 {strides = array<i32>} : memref<64x16xf32, #tpu.memory_space<vmem>>, vector<1x16xf32>,
    %swap3A_223 = arith.constant 37 : i32
    %swap3A_224 = arith.index_cast %swap3A_223 : i32 to index
    %swap3A_225 = arith.constant 0 : index
    %swap3A_226 = tpu.vector_load %arg7[%swap3A_224, %swap3A_225] {strides = array<i32>} : memref<64x16xf32, #tpu.memory_space<vmem>>, vector<1x16xf32>,
    %swap3A_227 = vector.shape_cast %swap3A_226 : vector<1x16xf32> to vector<16xf32>
    %swap3A_228 = vector.shape_cast %broadcast_in_dim3A_1 : vector<16xf32> to vector<1x16xf32>
    tpu.vector_store %arg7[%swap3A_224, %swap3A_225], %swap3A_228 {strides = array<i32>} : memref<64x16xf32, #tpu.memory_space<vmem>>, vector<1x16xf32>,
    %swap3A_229 = arith.constant 38 : i32
    %swap3A_230 = arith.index_cast %swap3A_229 : i32 to index
    %swap3A_231 = arith.constant 0 : index
    %swap3A_232 = tpu.vector_load %arg7[%swap3A_230, %swap3A_231] {strides = array<i32>} : memref<64x16xf32, #tpu.memory_space<vmem>>, vector<1x16xf32>,
    %swap3A_233 = vector.shape_cast %swap3A_232 : vector<1x16xf32> to vector<16xf32>
    %swap3A_234 = vector.shape_cast %broadcast_in_dim3A_1 : vector<16xf32> to vector<1x16xf32>
    tpu.vector_store %arg7[%swap3A_230, %swap3A_231], %swap3A_234 {strides = array<i32>} : memref<64x16xf32, #tpu.memory_space<vmem>>, vector<1x16xf32>,
    %swap3A_235 = arith.constant 39 : i32
    %swap3A_236 = arith.index_cast %swap3A_235 : i32 to index
    %swap3A_237 = arith.constant 0 : index
    %swap3A_238 = tpu.vector_load %arg7[%swap3A_236, %swap3A_237] {strides = array<i32>} : memref<64x16xf32, #tpu.memory_space<vmem>>, vector<1x16xf32>,
    %swap3A_239 = vector.shape_cast %swap3A_238 : vector<1x16xf32> to vector<16xf32>
    %swap3A_240 = vector.shape_cast %broadcast_in_dim3A_1 : vector<16xf32> to vector<1x16xf32>
    tpu.vector_store %arg7[%swap3A_236, %swap3A_237], %swap3A_240 {strides = array<i32>} : memref<64x16xf32, #tpu.memory_space<vmem>>, vector<1x16xf32>,
    %swap3A_241 = arith.constant 40 : i32
    %swap3A_242 = arith.index_cast %swap3A_241 : i32 to index
    %swap3A_243 = arith.constant 0 : index
    %swap3A_244 = tpu.vector_load %arg7[%swap3A_242, %swap3A_243] {strides = array<i32>} : memref<64x16xf32, #tpu.memory_space<vmem>>, vector<1x16xf32>,
    %swap3A_245 = vector.shape_cast %swap3A_244 : vector<1x16xf32> to vector<16xf32>
    %swap3A_246 = vector.shape_cast %broadcast_in_dim3A_1 : vector<16xf32> to vector<1x16xf32>
    tpu.vector_store %arg7[%swap3A_242, %swap3A_243], %swap3A_246 {strides = array<i32>} : memref<64x16xf32, #tpu.memory_space<vmem>>, vector<1x16xf32>,
    %swap3A_247 = arith.constant 41 : i32
    %swap3A_248 = arith.index_cast %swap3A_247 : i32 to index
    %swap3A_249 = arith.constant 0 : index
    %swap3A_250 = tpu.vector_load %arg7[%swap3A_248, %swap3A_249] {strides = array<i32>} : memref<64x16xf32, #tpu.memory_space<vmem>>, vector<1x16xf32>,
    %swap3A_251 = vector.shape_cast %swap3A_250 : vector<1x16xf32> to vector<16xf32>
    %swap3A_252 = vector.shape_cast %broadcast_in_dim3A_1 : vector<16xf32> to vector<1x16xf32>
    tpu.vector_store %arg7[%swap3A_248, %swap3A_249], %swap3A_252 {strides = array<i32>} : memref<64x16xf32, #tpu.memory_space<vmem>>, vector<1x16xf32>,
    %swap3A_253 = arith.constant 42 : i32
    %swap3A_254 = arith.index_cast %swap3A_253 : i32 to index
    %swap3A_255 = arith.constant 0 : index
    %swap3A_256 = tpu.vector_load %arg7[%swap3A_254, %swap3A_255] {strides = array<i32>} : memref<64x16xf32, #tpu.memory_space<vmem>>, vector<1x16xf32>,
    %swap3A_257 = vector.shape_cast %swap3A_256 : vector<1x16xf32> to vector<16xf32>
    %swap3A_258 = vector.shape_cast %broadcast_in_dim3A_1 : vector<16xf32> to vector<1x16xf32>
    tpu.vector_store %arg7[%swap3A_254, %swap3A_255], %swap3A_258 {strides = array<i32>} : memref<64x16xf32, #tpu.memory_space<vmem>>, vector<1x16xf32>,
    %swap3A_259 = arith.constant 43 : i32
    %swap3A_260 = arith.index_cast %swap3A_259 : i32 to index
    %swap3A_261 = arith.constant 0 : index
    %swap3A_262 = tpu.vector_load %arg7[%swap3A_260, %swap3A_261] {strides = array<i32>} : memref<64x16xf32, #tpu.memory_space<vmem>>, vector<1x16xf32>,
    %swap3A_263 = vector.shape_cast %swap3A_262 : vector<1x16xf32> to vector<16xf32>
    %swap3A_264 = vector.shape_cast %broadcast_in_dim3A_1 : vector<16xf32> to vector<1x16xf32>
    tpu.vector_store %arg7[%swap3A_260, %swap3A_261], %swap3A_264 {strides = array<i32>} : memref<64x16xf32, #tpu.memory_space<vmem>>, vector<1x16xf32>,
    %swap3A_265 = arith.constant 44 : i32
    %swap3A_266 = arith.index_cast %swap3A_265 : i32 to index
    %swap3A_267 = arith.constant 0 : index
    %swap3A_268 = tpu.vector_load %arg7[%swap3A_266, %swap3A_267] {strides = array<i32>} : memref<64x16xf32, #tpu.memory_space<vmem>>, vector<1x16xf32>,
    %swap3A_269 = vector.shape_cast %swap3A_268 : vector<1x16xf32> to vector<16xf32>
    %swap3A_270 = vector.shape_cast %broadcast_in_dim3A_1 : vector<16xf32> to vector<1x16xf32>
    tpu.vector_store %arg7[%swap3A_266, %swap3A_267], %swap3A_270 {strides = array<i32>} : memref<64x16xf32, #tpu.memory_space<vmem>>, vector<1x16xf32>,
    %swap3A_271 = arith.constant 45 : i32
    %swap3A_272 = arith.index_cast %swap3A_271 : i32 to index
    %swap3A_273 = arith.constant 0 : index
    %swap3A_274 = tpu.vector_load %arg7[%swap3A_272, %swap3A_273] {strides = array<i32>} : memref<64x16xf32, #tpu.memory_space<vmem>>, vector<1x16xf32>,
    %swap3A_275 = vector.shape_cast %swap3A_274 : vector<1x16xf32> to vector<16xf32>
    %swap3A_276 = vector.shape_cast %broadcast_in_dim3A_1 : vector<16xf32> to vector<1x16xf32>
    tpu.vector_store %arg7[%swap3A_272, %swap3A_273], %swap3A_276 {strides = array<i32>} : memref<64x16xf32, #tpu.memory_space<vmem>>, vector<1x16xf32>,
    %swap3A_277 = arith.constant 46 : i32
    %swap3A_278 = arith.index_cast %swap3A_277 : i32 to index
    %swap3A_279 = arith.constant 0 : index
    %swap3A_280 = tpu.vector_load %arg7[%swap3A_278, %swap3A_279] {strides = array<i32>} : memref<64x16xf32, #tpu.memory_space<vmem>>, vector<1x16xf32>,
    %swap3A_281 = vector.shape_cast %swap3A_280 : vector<1x16xf32> to vector<16xf32>
    %swap3A_282 = vector.shape_cast %broadcast_in_dim3A_1 : vector<16xf32> to vector<1x16xf32>
    tpu.vector_store %arg7[%swap3A_278, %swap3A_279], %swap3A_282 {strides = array<i32>} : memref<64x16xf32, #tpu.memory_space<vmem>>, vector<1x16xf32>,
    %swap3A_283 = arith.constant 47 : i32
    %swap3A_284 = arith.index_cast %swap3A_283 : i32 to index
    %swap3A_285 = arith.constant 0 : index
    %swap3A_286 = tpu.vector_load %arg7[%swap3A_284, %swap3A_285] {strides = array<i32>} : memref<64x16xf32, #tpu.memory_space<vmem>>, vector<1x16xf32>,
    %swap3A_287 = vector.shape_cast %swap3A_286 : vector<1x16xf32> to vector<16xf32>
    %swap3A_288 = vector.shape_cast %broadcast_in_dim3A_1 : vector<16xf32> to vector<1x16xf32>
    tpu.vector_store %arg7[%swap3A_284, %swap3A_285], %swap3A_288 {strides = array<i32>} : memref<64x16xf32, #tpu.memory_space<vmem>>, vector<1x16xf32>,
    %swap3A_289 = arith.constant 48 : i32
    %swap3A_290 = arith.index_cast %swap3A_289 : i32 to index
    %swap3A_291 = arith.constant 0 : index
    %swap3A_292 = tpu.vector_load %arg7[%swap3A_290, %swap3A_291] {strides = array<i32>} : memref<64x16xf32, #tpu.memory_space<vmem>>, vector<1x16xf32>,
    %swap3A_293 = vector.shape_cast %swap3A_292 : vector<1x16xf32> to vector<16xf32>
    %swap3A_294 = vector.shape_cast %broadcast_in_dim3A_1 : vector<16xf32> to vector<1x16xf32>
    tpu.vector_store %arg7[%swap3A_290, %swap3A_291], %swap3A_294 {strides = array<i32>} : memref<64x16xf32, #tpu.memory_space<vmem>>, vector<1x16xf32>,
    %swap3A_295 = arith.constant 49 : i32
    %swap3A_296 = arith.index_cast %swap3A_295 : i32 to index
    %swap3A_297 = arith.constant 0 : index
    %swap3A_298 = tpu.vector_load %arg7[%swap3A_296, %swap3A_297] {strides = array<i32>} : memref<64x16xf32, #tpu.memory_space<vmem>>, vector<1x16xf32>,
    %swap3A_299 = vector.shape_cast %swap3A_298 : vector<1x16xf32> to vector<16xf32>
    %swap3A_300 = vector.shape_cast %broadcast_in_dim3A_1 : vector<16xf32> to vector<1x16xf32>
    tpu.vector_store %arg7[%swap3A_296, %swap3A_297], %swap3A_300 {strides = array<i32>} : memref<64x16xf32, #tpu.memory_space<vmem>>, vector<1x16xf32>,
    %swap3A_301 = arith.constant 50 : i32
    %swap3A_302 = arith.index_cast %swap3A_301 : i32 to index
    %swap3A_303 = arith.constant 0 : index
    %swap3A_304 = tpu.vector_load %arg7[%swap3A_302, %swap3A_303] {strides = array<i32>} : memref<64x16xf32, #tpu.memory_space<vmem>>, vector<1x16xf32>,
    %swap3A_305 = vector.shape_cast %swap3A_304 : vector<1x16xf32> to vector<16xf32>
    %swap3A_306 = vector.shape_cast %broadcast_in_dim3A_1 : vector<16xf32> to vector<1x16xf32>
    tpu.vector_store %arg7[%swap3A_302, %swap3A_303], %swap3A_306 {strides = array<i32>} : memref<64x16xf32, #tpu.memory_space<vmem>>, vector<1x16xf32>,
    %swap3A_307 = arith.constant 51 : i32
    %swap3A_308 = arith.index_cast %swap3A_307 : i32 to index
    %swap3A_309 = arith.constant 0 : index
    %swap3A_310 = tpu.vector_load %arg7[%swap3A_308, %swap3A_309] {strides = array<i32>} : memref<64x16xf32, #tpu.memory_space<vmem>>, vector<1x16xf32>,
    %swap3A_311 = vector.shape_cast %swap3A_310 : vector<1x16xf32> to vector<16xf32>
    %swap3A_312 = vector.shape_cast %broadcast_in_dim3A_1 : vector<16xf32> to vector<1x16xf32>
    tpu.vector_store %arg7[%swap3A_308, %swap3A_309], %swap3A_312 {strides = array<i32>} : memref<64x16xf32, #tpu.memory_space<vmem>>, vector<1x16xf32>,
    %swap3A_313 = arith.constant 52 : i32
    %swap3A_314 = arith.index_cast %swap3A_313 : i32 to index
    %swap3A_315 = arith.constant 0 : index
    %swap3A_316 = tpu.vector_load %arg7[%swap3A_314, %swap3A_315] {strides = array<i32>} : memref<64x16xf32, #tpu.memory_space<vmem>>, vector<1x16xf32>,
    %swap3A_317 = vector.shape_cast %swap3A_316 : vector<1x16xf32> to vector<16xf32>
    %swap3A_318 = vector.shape_cast %broadcast_in_dim3A_1 : vector<16xf32> to vector<1x16xf32>
    tpu.vector_store %arg7[%swap3A_314, %swap3A_315], %swap3A_318 {strides = array<i32>} : memref<64x16xf32, #tpu.memory_space<vmem>>, vector<1x16xf32>,
    %swap3A_319 = arith.constant 53 : i32
    %swap3A_320 = arith.index_cast %swap3A_319 : i32 to index
    %swap3A_321 = arith.constant 0 : index
    %swap3A_322 = tpu.vector_load %arg7[%swap3A_320, %swap3A_321] {strides = array<i32>} : memref<64x16xf32, #tpu.memory_space<vmem>>, vector<1x16xf32>,
    %swap3A_323 = vector.shape_cast %swap3A_322 : vector<1x16xf32> to vector<16xf32>
    %swap3A_324 = vector.shape_cast %broadcast_in_dim3A_1 : vector<16xf32> to vector<1x16xf32>
    tpu.vector_store %arg7[%swap3A_320, %swap3A_321], %swap3A_324 {strides = array<i32>} : memref<64x16xf32, #tpu.memory_space<vmem>>, vector<1x16xf32>,
    %swap3A_325 = arith.constant 54 : i32
    %swap3A_326 = arith.index_cast %swap3A_325 : i32 to index
    %swap3A_327 = arith.constant 0 : index
    %swap3A_328 = tpu.vector_load %arg7[%swap3A_326, %swap3A_327] {strides = array<i32>} : memref<64x16xf32, #tpu.memory_space<vmem>>, vector<1x16xf32>,
    %swap3A_329 = vector.shape_cast %swap3A_328 : vector<1x16xf32> to vector<16xf32>
    %swap3A_330 = vector.shape_cast %broadcast_in_dim3A_1 : vector<16xf32> to vector<1x16xf32>
    tpu.vector_store %arg7[%swap3A_326, %swap3A_327], %swap3A_330 {strides = array<i32>} : memref<64x16xf32, #tpu.memory_space<vmem>>, vector<1x16xf32>,
    %swap3A_331 = arith.constant 55 : i32
    %swap3A_332 = arith.index_cast %swap3A_331 : i32 to index
    %swap3A_333 = arith.constant 0 : index
    %swap3A_334 = tpu.vector_load %arg7[%swap3A_332, %swap3A_333] {strides = array<i32>} : memref<64x16xf32, #tpu.memory_space<vmem>>, vector<1x16xf32>,
    %swap3A_335 = vector.shape_cast %swap3A_334 : vector<1x16xf32> to vector<16xf32>
    %swap3A_336 = vector.shape_cast %broadcast_in_dim3A_1 : vector<16xf32> to vector<1x16xf32>
    tpu.vector_store %arg7[%swap3A_332, %swap3A_333], %swap3A_336 {strides = array<i32>} : memref<64x16xf32, #tpu.memory_space<vmem>>, vector<1x16xf32>,
    %swap3A_337 = arith.constant 56 : i32
    %swap3A_338 = arith.index_cast %swap3A_337 : i32 to index
    %swap3A_339 = arith.constant 0 : index
    %swap3A_340 = tpu.vector_load %arg7[%swap3A_338, %swap3A_339] {strides = array<i32>} : memref<64x16xf32, #tpu.memory_space<vmem>>, vector<1x16xf32>,
    %swap3A_341 = vector.shape_cast %swap3A_340 : vector<1x16xf32> to vector<16xf32>
    %swap3A_342 = vector.shape_cast %broadcast_in_dim3A_1 : vector<16xf32> to vector<1x16xf32>
    tpu.vector_store %arg7[%swap3A_338, %swap3A_339], %swap3A_342 {strides = array<i32>} : memref<64x16xf32, #tpu.memory_space<vmem>>, vector<1x16xf32>,
    %swap3A_343 = arith.constant 57 : i32
    %swap3A_344 = arith.index_cast %swap3A_343 : i32 to index
    %swap3A_345 = arith.constant 0 : index
    %swap3A_346 = tpu.vector_load %arg7[%swap3A_344, %swap3A_345] {strides = array<i32>} : memref<64x16xf32, #tpu.memory_space<vmem>>, vector<1x16xf32>,
    %swap3A_347 = vector.shape_cast %swap3A_346 : vector<1x16xf32> to vector<16xf32>
    %swap3A_348 = vector.shape_cast %broadcast_in_dim3A_1 : vector<16xf32> to vector<1x16xf32>
    tpu.vector_store %arg7[%swap3A_344, %swap3A_345], %swap3A_348 {strides = array<i32>} : memref<64x16xf32, #tpu.memory_space<vmem>>, vector<1x16xf32>,
    %swap3A_349 = arith.constant 58 : i32
    %swap3A_350 = arith.index_cast %swap3A_349 : i32 to index
    %swap3A_351 = arith.constant 0 : index
    %swap3A_352 = tpu.vector_load %arg7[%swap3A_350, %swap3A_351] {strides = array<i32>} : memref<64x16xf32, #tpu.memory_space<vmem>>, vector<1x16xf32>,
    %swap3A_353 = vector.shape_cast %swap3A_352 : vector<1x16xf32> to vector<16xf32>
    %swap3A_354 = vector.shape_cast %broadcast_in_dim3A_1 : vector<16xf32> to vector<1x16xf32>
    tpu.vector_store %arg7[%swap3A_350, %swap3A_351], %swap3A_354 {strides = array<i32>} : memref<64x16xf32, #tpu.memory_space<vmem>>, vector<1x16xf32>,
    %swap3A_355 = arith.constant 59 : i32
    %swap3A_356 = arith.index_cast %swap3A_355 : i32 to index
    %swap3A_357 = arith.constant 0 : index
    %swap3A_358 = tpu.vector_load %arg7[%swap3A_356, %swap3A_357] {strides = array<i32>} : memref<64x16xf32, #tpu.memory_space<vmem>>, vector<1x16xf32>,
    %swap3A_359 = vector.shape_cast %swap3A_358 : vector<1x16xf32> to vector<16xf32>
    %swap3A_360 = vector.shape_cast %broadcast_in_dim3A_1 : vector<16xf32> to vector<1x16xf32>
    tpu.vector_store %arg7[%swap3A_356, %swap3A_357], %swap3A_360 {strides = array<i32>} : memref<64x16xf32, #tpu.memory_space<vmem>>, vector<1x16xf32>,
    %swap3A_361 = arith.constant 60 : i32
    %swap3A_362 = arith.index_cast %swap3A_361 : i32 to index
    %swap3A_363 = arith.constant 0 : index
    %swap3A_364 = tpu.vector_load %arg7[%swap3A_362, %swap3A_363] {strides = array<i32>} : memref<64x16xf32, #tpu.memory_space<vmem>>, vector<1x16xf32>,
    %swap3A_365 = vector.shape_cast %swap3A_364 : vector<1x16xf32> to vector<16xf32>
    %swap3A_366 = vector.shape_cast %broadcast_in_dim3A_1 : vector<16xf32> to vector<1x16xf32>
    tpu.vector_store %arg7[%swap3A_362, %swap3A_363], %swap3A_366 {strides = array<i32>} : memref<64x16xf32, #tpu.memory_space<vmem>>, vector<1x16xf32>,
    %swap3A_367 = arith.constant 61 : i32
    %swap3A_368 = arith.index_cast %swap3A_367 : i32 to index
    %swap3A_369 = arith.constant 0 : index
    %swap3A_370 = tpu.vector_load %arg7[%swap3A_368, %swap3A_369] {strides = array<i32>} : memref<64x16xf32, #tpu.memory_space<vmem>>, vector<1x16xf32>,
    %swap3A_371 = vector.shape_cast %swap3A_370 : vector<1x16xf32> to vector<16xf32>
    %swap3A_372 = vector.shape_cast %broadcast_in_dim3A_1 : vector<16xf32> to vector<1x16xf32>
    tpu.vector_store %arg7[%swap3A_368, %swap3A_369], %swap3A_372 {strides = array<i32>} : memref<64x16xf32, #tpu.memory_space<vmem>>, vector<1x16xf32>,
    %swap3A_373 = arith.constant 62 : i32
    %swap3A_374 = arith.index_cast %swap3A_373 : i32 to index
    %swap3A_375 = arith.constant 0 : index
    %swap3A_376 = tpu.vector_load %arg7[%swap3A_374, %swap3A_375] {strides = array<i32>} : memref<64x16xf32, #tpu.memory_space<vmem>>, vector<1x16xf32>,
    %swap3A_377 = vector.shape_cast %swap3A_376 : vector<1x16xf32> to vector<16xf32>
    %swap3A_378 = vector.shape_cast %broadcast_in_dim3A_1 : vector<16xf32> to vector<1x16xf32>
    tpu.vector_store %arg7[%swap3A_374, %swap3A_375], %swap3A_378 {strides = array<i32>} : memref<64x16xf32, #tpu.memory_space<vmem>>, vector<1x16xf32>,
    %swap3A_379 = arith.constant 63 : i32
    %swap3A_380 = arith.index_cast %swap3A_379 : i32 to index
    %swap3A_381 = arith.constant 0 : index
    %swap3A_382 = tpu.vector_load %arg7[%swap3A_380, %swap3A_381] {strides = array<i32>} : memref<64x16xf32, #tpu.memory_space<vmem>>, vector<1x16xf32>,
    %swap3A_383 = vector.shape_cast %swap3A_382 : vector<1x16xf32> to vector<16xf32>
    %swap3A_384 = vector.shape_cast %broadcast_in_dim3A_1 : vector<16xf32> to vector<1x16xf32>
    tpu.vector_store %arg7[%swap3A_380, %swap3A_381], %swap3A_384 {strides = array<i32>} : memref<64x16xf32, #tpu.memory_space<vmem>>, vector<1x16xf32>,
    %mul3A_385 = arith.constant 64 : i32
    %mul3A_386 = arith.muli %arg1, %mul3A_385 : i32
    "tpu.region"() ({
      %run_scoped3A = tpu.sem_alloc : memref<!tpu.dma_semaphore, #tpu.memory_space<semaphore_mem>>
      %dma_start3A = arith.constant 0 : i32
      %dma_start3A_402 = tpu.memref_slice %arg8[%mul3A_386, %dma_start3A] : memref<1024x16xf32, #tpu.memory_space<vmem_shared>> -> memref<64x16xf32, #tpu.memory_space<vmem_shared>>
      %dma_start3A_403 = arith.constant 0 : i32
      %dma_start3A_404 = tpu.memref_slice %arg8[%mul3A_386, %dma_start3A_403] : memref<1024x16xf32, #tpu.memory_space<vmem_shared>> -> memref<64x16xf32, #tpu.memory_space<vmem_shared>>
      tpu.enqueue_dma source(%arg7 : memref<64x16xf32, #tpu.memory_space<vmem>>) target(%dma_start3A_404 : memref<64x16xf32, #tpu.memory_space<vmem_shared>>) target_semaphore(%run_scoped3A : memref<!tpu.dma_semaphore, #tpu.memory_space<semaphore_mem>>)
      %dma_wait3A = arith.constant 0 : i32
      %dma_wait3A_405 = tpu.memref_slice %arg8[%mul3A_386, %dma_wait3A] : memref<1024x16xf32, #tpu.memory_space<vmem_shared>> -> memref<64x16xf32, #tpu.memory_space<vmem_shared>>
      %dma_wait3A_406 = arith.constant 0 : i32
      %dma_wait3A_407 = tpu.memref_slice %arg8[%mul3A_386, %dma_wait3A_406] : memref<1024x16xf32, #tpu.memory_space<vmem_shared>> -> memref<64x16xf32, #tpu.memory_space<vmem_shared>>
      tpu.wait_dma2 semaphore(%run_scoped3A : memref<!tpu.dma_semaphore, #tpu.memory_space<semaphore_mem>>) src(%arg7 : memref<64x16xf32, #tpu.memory_space<vmem>>) dst(%dma_wait3A_407 : memref<64x16xf32, #tpu.memory_space<vmem_shared>>)
      tpu.yield
    }) : () -> ()
    %barrier3A = arith.constant 0 : index
    tpu.barrier barrier_id(%barrier3A)
    %mul3A_387 = arith.constant 3200 : i32
    %mul3A_388 = arith.muli %add3A, %mul3A_387 : i32
    "tpu.region"() ({
      %run_scoped3A = tpu.sem_alloc : memref<!tpu.dma_semaphore, #tpu.memory_space<semaphore_mem>>
      %dma_start3A = arith.constant 0 : i32
      %dma_start3A_402 = tpu.memref_slice %arg2[%mul3A_388, %dma_start3A] : memref<102400x16xf32, #tpu.memory_space<hbm>> -> memref<3200x16xf32, #tpu.memory_space<hbm>>
      %dma_start3A_403 = arith.constant 0 : i32
      %dma_start3A_404 = tpu.memref_slice %arg2[%mul3A_388, %dma_start3A_403] : memref<102400x16xf32, #tpu.memory_space<hbm>> -> memref<3200x16xf32, #tpu.memory_space<hbm>>
      tpu.enqueue_dma source(%dma_start3A_404 : memref<3200x16xf32, #tpu.memory_space<hbm>>) target(%arg5 : memref<3200x16xf32, #tpu.memory_space<vmem>>) target_semaphore(%run_scoped3A : memref<!tpu.dma_semaphore, #tpu.memory_space<semaphore_mem>>)
      %dma_wait3A = arith.constant 0 : i32
      %dma_wait3A_405 = tpu.memref_slice %arg2[%mul3A_388, %dma_wait3A] : memref<102400x16xf32, #tpu.memory_space<hbm>> -> memref<3200x16xf32, #tpu.memory_space<hbm>>
      %dma_wait3A_406 = arith.constant 0 : i32
      %dma_wait3A_407 = tpu.memref_slice %arg2[%mul3A_388, %dma_wait3A_406] : memref<102400x16xf32, #tpu.memory_space<hbm>> -> memref<3200x16xf32, #tpu.memory_space<hbm>>
      tpu.wait_dma2 semaphore(%run_scoped3A : memref<!tpu.dma_semaphore, #tpu.memory_space<semaphore_mem>>) src(%dma_wait3A_407 : memref<3200x16xf32, #tpu.memory_space<hbm>>) dst(%arg5 : memref<3200x16xf32, #tpu.memory_space<vmem>>)
      tpu.yield
    }) : () -> ()
    "tpu.region"() ({
      %run_scoped3A = tpu.sem_alloc : memref<!tpu.dma_semaphore, #tpu.memory_space<semaphore_mem>>
      %dma_start3A = arith.constant 0 : i32
      %dma_start3A_402 = arith.constant 0 : i32
      %dma_start3A_403 = tpu.memref_slice %arg3[%add3A, %dma_start3A, %dma_start3A_402] : memref<32x25x128xi32, #tpu.memory_space<hbm>> -> memref<1x25x128xi32, #tpu.memory_space<hbm>>
      %dma_start3A_404 = tpu.memref_squeeze %dma_start3A_403 : memref<1x25x128xi32, #tpu.memory_space<hbm>> -> memref<25x128xi32, #tpu.memory_space<hbm>>
      %dma_start3A_405 = arith.constant 0 : i32
      %dma_start3A_406 = arith.constant 0 : i32
      %dma_start3A_407 = tpu.memref_slice %arg3[%add3A, %dma_start3A_405, %dma_start3A_406] : memref<32x25x128xi32, #tpu.memory_space<hbm>> -> memref<1x25x128xi32, #tpu.memory_space<hbm>>
      %dma_start3A_408 = tpu.memref_squeeze %dma_start3A_407 : memref<1x25x128xi32, #tpu.memory_space<hbm>> -> memref<25x128xi32, #tpu.memory_space<hbm>>
      tpu.enqueue_dma source(%dma_start3A_408 : memref<25x128xi32, #tpu.memory_space<hbm>>) target(%arg6 : memref<25x128xi32, #tpu.memory_space<vmem>>) target_semaphore(%run_scoped3A : memref<!tpu.dma_semaphore, #tpu.memory_space<semaphore_mem>>)
      %dma_wait3A = arith.constant 0 : i32
      %dma_wait3A_409 = arith.constant 0 : i32
      %dma_wait3A_410 = tpu.memref_slice %arg3[%add3A, %dma_wait3A, %dma_wait3A_409] : memref<32x25x128xi32, #tpu.memory_space<hbm>> -> memref<1x25x128xi32, #tpu.memory_space<hbm>>
      %dma_wait3A_411 = tpu.memref_squeeze %dma_wait3A_410 : memref<1x25x128xi32, #tpu.memory_space<hbm>> -> memref<25x128xi32, #tpu.memory_space<hbm>>
      %dma_wait3A_412 = arith.constant 0 : i32
      %dma_wait3A_413 = arith.constant 0 : i32
      %dma_wait3A_414 = tpu.memref_slice %arg3[%add3A, %dma_wait3A_412, %dma_wait3A_413] : memref<32x25x128xi32, #tpu.memory_space<hbm>> -> memref<1x25x128xi32, #tpu.memory_space<hbm>>
      %dma_wait3A_415 = tpu.memref_squeeze %dma_wait3A_414 : memref<1x25x128xi32, #tpu.memory_space<hbm>> -> memref<25x128xi32, #tpu.memory_space<hbm>>
      tpu.wait_dma2 semaphore(%run_scoped3A : memref<!tpu.dma_semaphore, #tpu.memory_space<semaphore_mem>>) src(%dma_wait3A_415 : memref<25x128xi32, #tpu.memory_space<hbm>>) dst(%arg6 : memref<25x128xi32, #tpu.memory_space<vmem>>)
      tpu.yield
    }) : () -> ()
    %scan3A = arith.constant 0 : i32
    %scan3A_389 = arith.constant 0 : i32
    %scan3A_390 = arith.constant 5 : i32
    %scan3A_391 = arith.addi %scan3A_389, %scan3A_390 : i32
    %scan3A_392 = arith.constant 1 : i32
    scf.for %scan3A_402 = %scan3A_389 to %scan3A_391 step %scan3A_392  : i32 {
      %mul3A_403 = arith.constant 5 : i32
      %mul3A_404 = arith.muli %scan3A_402, %mul3A_403 : i32
      %add3A_405 = arith.constant 0 : i32
      %add3A_406 = arith.addi %mul3A_404, %add3A_405 : i32
      %mul3A_407 = arith.constant 128 : i32
      %mul3A_408 = arith.muli %add3A_406, %mul3A_407 : i32
      %add3A_409 = arith.constant 0 : i32
      %add3A_410 = arith.addi %mul3A_404, %add3A_409 : i32
      %dma_start3A = arith.constant 0 : i32
      %dma_start3A_411 = tpu.memref_slice %arg5[%mul3A_408, %dma_start3A] : memref<3200x16xf32, #tpu.memory_space<vmem>> -> memref<128x16xf32, #tpu.memory_space<vmem>>
      %dma_start3A_412 = arith.constant 0 : i32
      %dma_start3A_413 = tpu.memref_slice %arg6[%add3A_410, %dma_start3A_412] : memref<25x128xi32, #tpu.memory_space<vmem>> -> memref<1x128xi32, #tpu.memory_space<vmem>>
      %dma_start3A_414 = tpu.memref_squeeze %dma_start3A_413 : memref<1x128xi32, #tpu.memory_space<vmem>> -> memref<128xi32, #tpu.memory_space<vmem>>
      %dma_start3A_415 = arith.constant 0 : i32
      %dma_start3A_416 = arith.constant 0 : i32
      %dma_start3A_417 = tpu.memref_slice %arg8[%dma_start3A_415, %dma_start3A_416] : memref<1024x16xf32, #tpu.memory_space<vmem_shared>> -> memref<1024x16xf32, #tpu.memory_space<vmem_shared>>
      tpu.enqueue_indirect_dma source(%dma_start3A_411 : memref<128x16xf32, #tpu.memory_space<vmem>>) target(%dma_start3A_417 : memref<1024x16xf32, #tpu.memory_space<vmem_shared>>) offsets(%dma_start3A_414 : memref<128xi32, #tpu.memory_space<vmem>>) semaphore(%arg9 : memref<!tpu.dma_semaphore, #tpu.memory_space<semaphore_mem>>) {add = true}
      %add3A_418 = arith.constant 1 : i32
      %add3A_419 = arith.addi %mul3A_404, %add3A_418 : i32
      %mul3A_420 = arith.constant 128 : i32
      %mul3A_421 = arith.muli %add3A_419, %mul3A_420 : i32
      %add3A_422 = arith.constant 1 : i32
      %add3A_423 = arith.addi %mul3A_404, %add3A_422 : i32
      %dma_start3A_424 = arith.constant 0 : i32
      %dma_start3A_425 = tpu.memref_slice %arg5[%mul3A_421, %dma_start3A_424] : memref<3200x16xf32, #tpu.memory_space<vmem>> -> memref<128x16xf32, #tpu.memory_space<vmem>>
      %dma_start3A_426 = arith.constant 0 : i32
      %dma_start3A_427 = tpu.memref_slice %arg6[%add3A_423, %dma_start3A_426] : memref<25x128xi32, #tpu.memory_space<vmem>> -> memref<1x128xi32, #tpu.memory_space<vmem>>
      %dma_start3A_428 = tpu.memref_squeeze %dma_start3A_427 : memref<1x128xi32, #tpu.memory_space<vmem>> -> memref<128xi32, #tpu.memory_space<vmem>>
      %dma_start3A_429 = arith.constant 0 : i32
      %dma_start3A_430 = arith.constant 0 : i32
      %dma_start3A_431 = tpu.memref_slice %arg8[%dma_start3A_429, %dma_start3A_430] : memref<1024x16xf32, #tpu.memory_space<vmem_shared>> -> memref<1024x16xf32, #tpu.memory_space<vmem_shared>>
      tpu.enqueue_indirect_dma source(%dma_start3A_425 : memref<128x16xf32, #tpu.memory_space<vmem>>) target(%dma_start3A_431 : memref<1024x16xf32, #tpu.memory_space<vmem_shared>>) offsets(%dma_start3A_428 : memref<128xi32, #tpu.memory_space<vmem>>) semaphore(%arg9 : memref<!tpu.dma_semaphore, #tpu.memory_space<semaphore_mem>>) {add = true}
      %add3A_432 = arith.constant 2 : i32
      %add3A_433 = arith.addi %mul3A_404, %add3A_432 : i32
      %mul3A_434 = arith.constant 128 : i32
      %mul3A_435 = arith.muli %add3A_433, %mul3A_434 : i32
      %add3A_436 = arith.constant 2 : i32
      %add3A_437 = arith.addi %mul3A_404, %add3A_436 : i32
      %dma_start3A_438 = arith.constant 0 : i32
      %dma_start3A_439 = tpu.memref_slice %arg5[%mul3A_435, %dma_start3A_438] : memref<3200x16xf32, #tpu.memory_space<vmem>> -> memref<128x16xf32, #tpu.memory_space<vmem>>
      %dma_start3A_440 = arith.constant 0 : i32
      %dma_start3A_441 = tpu.memref_slice %arg6[%add3A_437, %dma_start3A_440] : memref<25x128xi32, #tpu.memory_space<vmem>> -> memref<1x128xi32, #tpu.memory_space<vmem>>
      %dma_start3A_442 = tpu.memref_squeeze %dma_start3A_441 : memref<1x128xi32, #tpu.memory_space<vmem>> -> memref<128xi32, #tpu.memory_space<vmem>>
      %dma_start3A_443 = arith.constant 0 : i32
      %dma_start3A_444 = arith.constant 0 : i32
      %dma_start3A_445 = tpu.memref_slice %arg8[%dma_start3A_443, %dma_start3A_444] : memref<1024x16xf32, #tpu.memory_space<vmem_shared>> -> memref<1024x16xf32, #tpu.memory_space<vmem_shared>>
      tpu.enqueue_indirect_dma source(%dma_start3A_439 : memref<128x16xf32, #tpu.memory_space<vmem>>) target(%dma_start3A_445 : memref<1024x16xf32, #tpu.memory_space<vmem_shared>>) offsets(%dma_start3A_442 : memref<128xi32, #tpu.memory_space<vmem>>) semaphore(%arg9 : memref<!tpu.dma_semaphore, #tpu.memory_space<semaphore_mem>>) {add = true}
      %add3A_446 = arith.constant 3 : i32
      %add3A_447 = arith.addi %mul3A_404, %add3A_446 : i32
      %mul3A_448 = arith.constant 128 : i32
      %mul3A_449 = arith.muli %add3A_447, %mul3A_448 : i32
      %add3A_450 = arith.constant 3 : i32
      %add3A_451 = arith.addi %mul3A_404, %add3A_450 : i32
      %dma_start3A_452 = arith.constant 0 : i32
      %dma_start3A_453 = tpu.memref_slice %arg5[%mul3A_449, %dma_start3A_452] : memref<3200x16xf32, #tpu.memory_space<vmem>> -> memref<128x16xf32, #tpu.memory_space<vmem>>
      %dma_start3A_454 = arith.constant 0 : i32
      %dma_start3A_455 = tpu.memref_slice %arg6[%add3A_451, %dma_start3A_454] : memref<25x128xi32, #tpu.memory_space<vmem>> -> memref<1x128xi32, #tpu.memory_space<vmem>>
      %dma_start3A_456 = tpu.memref_squeeze %dma_start3A_455 : memref<1x128xi32, #tpu.memory_space<vmem>> -> memref<128xi32, #tpu.memory_space<vmem>>
      %dma_start3A_457 = arith.constant 0 : i32
      %dma_start3A_458 = arith.constant 0 : i32
      %dma_start3A_459 = tpu.memref_slice %arg8[%dma_start3A_457, %dma_start3A_458] : memref<1024x16xf32, #tpu.memory_space<vmem_shared>> -> memref<1024x16xf32, #tpu.memory_space<vmem_shared>>
      tpu.enqueue_indirect_dma source(%dma_start3A_453 : memref<128x16xf32, #tpu.memory_space<vmem>>) target(%dma_start3A_459 : memref<1024x16xf32, #tpu.memory_space<vmem_shared>>) offsets(%dma_start3A_456 : memref<128xi32, #tpu.memory_space<vmem>>) semaphore(%arg9 : memref<!tpu.dma_semaphore, #tpu.memory_space<semaphore_mem>>) {add = true}
      %add3A_460 = arith.constant 4 : i32
      %add3A_461 = arith.addi %mul3A_404, %add3A_460 : i32
      %mul3A_462 = arith.constant 128 : i32
      %mul3A_463 = arith.muli %add3A_461, %mul3A_462 : i32
      %add3A_464 = arith.constant 4 : i32
      %add3A_465 = arith.addi %mul3A_404, %add3A_464 : i32
      %dma_start3A_466 = arith.constant 0 : i32
      %dma_start3A_467 = tpu.memref_slice %arg5[%mul3A_463, %dma_start3A_466] : memref<3200x16xf32, #tpu.memory_space<vmem>> -> memref<128x16xf32, #tpu.memory_space<vmem>>
      %dma_start3A_468 = arith.constant 0 : i32
      %dma_start3A_469 = tpu.memref_slice %arg6[%add3A_465, %dma_start3A_468] : memref<25x128xi32, #tpu.memory_space<vmem>> -> memref<1x128xi32, #tpu.memory_space<vmem>>
      %dma_start3A_470 = tpu.memref_squeeze %dma_start3A_469 : memref<1x128xi32, #tpu.memory_space<vmem>> -> memref<128xi32, #tpu.memory_space<vmem>>
      %dma_start3A_471 = arith.constant 0 : i32
      %dma_start3A_472 = arith.constant 0 : i32
      %dma_start3A_473 = tpu.memref_slice %arg8[%dma_start3A_471, %dma_start3A_472] : memref<1024x16xf32, #tpu.memory_space<vmem_shared>> -> memref<1024x16xf32, #tpu.memory_space<vmem_shared>>
      tpu.enqueue_indirect_dma source(%dma_start3A_467 : memref<128x16xf32, #tpu.memory_space<vmem>>) target(%dma_start3A_473 : memref<1024x16xf32, #tpu.memory_space<vmem_shared>>) offsets(%dma_start3A_470 : memref<128xi32, #tpu.memory_space<vmem>>) semaphore(%arg9 : memref<!tpu.dma_semaphore, #tpu.memory_space<semaphore_mem>>) {add = true}
      %dma_wait3A = arith.constant 0 : i32
      %dma_wait3A_474 = tpu.memref_slice %arg5[%mul3A_408, %dma_wait3A] : memref<3200x16xf32, #tpu.memory_space<vmem>> -> memref<128x16xf32, #tpu.memory_space<vmem>>
      %dma_wait3A_475 = arith.constant 0 : i32
      %dma_wait3A_476 = tpu.memref_slice %arg6[%add3A_410, %dma_wait3A_475] : memref<25x128xi32, #tpu.memory_space<vmem>> -> memref<1x128xi32, #tpu.memory_space<vmem>>
      %dma_wait3A_477 = tpu.memref_squeeze %dma_wait3A_476 : memref<1x128xi32, #tpu.memory_space<vmem>> -> memref<128xi32, #tpu.memory_space<vmem>>
      %dma_wait3A_478 = arith.constant 0 : i32
      %dma_wait3A_479 = arith.constant 0 : i32
      %dma_wait3A_480 = tpu.memref_slice %arg8[%dma_wait3A_478, %dma_wait3A_479] : memref<1024x16xf32, #tpu.memory_space<vmem_shared>> -> memref<1024x16xf32, #tpu.memory_space<vmem_shared>>
      tpu.wait_indirect_dma semaphore(%arg9 : memref<!tpu.dma_semaphore, #tpu.memory_space<semaphore_mem>>) src(%dma_wait3A_474 : memref<128x16xf32, #tpu.memory_space<vmem>>) dst(%dma_wait3A_480 : memref<1024x16xf32, #tpu.memory_space<vmem_shared>>)
      %dma_wait3A_481 = arith.constant 0 : i32
      %dma_wait3A_482 = tpu.memref_slice %arg5[%mul3A_421, %dma_wait3A_481] : memref<3200x16xf32, #tpu.memory_space<vmem>> -> memref<128x16xf32, #tpu.memory_space<vmem>>
      %dma_wait3A_483 = arith.constant 0 : i32
      %dma_wait3A_484 = tpu.memref_slice %arg6[%add3A_423, %dma_wait3A_483] : memref<25x128xi32, #tpu.memory_space<vmem>> -> memref<1x128xi32, #tpu.memory_space<vmem>>
      %dma_wait3A_485 = tpu.memref_squeeze %dma_wait3A_484 : memref<1x128xi32, #tpu.memory_space<vmem>> -> memref<128xi32, #tpu.memory_space<vmem>>
      %dma_wait3A_486 = arith.constant 0 : i32
      %dma_wait3A_487 = arith.constant 0 : i32
      %dma_wait3A_488 = tpu.memref_slice %arg8[%dma_wait3A_486, %dma_wait3A_487] : memref<1024x16xf32, #tpu.memory_space<vmem_shared>> -> memref<1024x16xf32, #tpu.memory_space<vmem_shared>>
      tpu.wait_indirect_dma semaphore(%arg9 : memref<!tpu.dma_semaphore, #tpu.memory_space<semaphore_mem>>) src(%dma_wait3A_482 : memref<128x16xf32, #tpu.memory_space<vmem>>) dst(%dma_wait3A_488 : memref<1024x16xf32, #tpu.memory_space<vmem_shared>>)
      %dma_wait3A_489 = arith.constant 0 : i32
      %dma_wait3A_490 = tpu.memref_slice %arg5[%mul3A_435, %dma_wait3A_489] : memref<3200x16xf32, #tpu.memory_space<vmem>> -> memref<128x16xf32, #tpu.memory_space<vmem>>
      %dma_wait3A_491 = arith.constant 0 : i32
      %dma_wait3A_492 = tpu.memref_slice %arg6[%add3A_437, %dma_wait3A_491] : memref<25x128xi32, #tpu.memory_space<vmem>> -> memref<1x128xi32, #tpu.memory_space<vmem>>
      %dma_wait3A_493 = tpu.memref_squeeze %dma_wait3A_492 : memref<1x128xi32, #tpu.memory_space<vmem>> -> memref<128xi32, #tpu.memory_space<vmem>>
      %dma_wait3A_494 = arith.constant 0 : i32
      %dma_wait3A_495 = arith.constant 0 : i32
      %dma_wait3A_496 = tpu.memref_slice %arg8[%dma_wait3A_494, %dma_wait3A_495] : memref<1024x16xf32, #tpu.memory_space<vmem_shared>> -> memref<1024x16xf32, #tpu.memory_space<vmem_shared>>
      tpu.wait_indirect_dma semaphore(%arg9 : memref<!tpu.dma_semaphore, #tpu.memory_space<semaphore_mem>>) src(%dma_wait3A_490 : memref<128x16xf32, #tpu.memory_space<vmem>>) dst(%dma_wait3A_496 : memref<1024x16xf32, #tpu.memory_space<vmem_shared>>)
      %dma_wait3A_497 = arith.constant 0 : i32
      %dma_wait3A_498 = tpu.memref_slice %arg5[%mul3A_449, %dma_wait3A_497] : memref<3200x16xf32, #tpu.memory_space<vmem>> -> memref<128x16xf32, #tpu.memory_space<vmem>>
      %dma_wait3A_499 = arith.constant 0 : i32
      %dma_wait3A_500 = tpu.memref_slice %arg6[%add3A_451, %dma_wait3A_499] : memref<25x128xi32, #tpu.memory_space<vmem>> -> memref<1x128xi32, #tpu.memory_space<vmem>>
      %dma_wait3A_501 = tpu.memref_squeeze %dma_wait3A_500 : memref<1x128xi32, #tpu.memory_space<vmem>> -> memref<128xi32, #tpu.memory_space<vmem>>
      %dma_wait3A_502 = arith.constant 0 : i32
      %dma_wait3A_503 = arith.constant 0 : i32
      %dma_wait3A_504 = tpu.memref_slice %arg8[%dma_wait3A_502, %dma_wait3A_503] : memref<1024x16xf32, #tpu.memory_space<vmem_shared>> -> memref<1024x16xf32, #tpu.memory_space<vmem_shared>>
      tpu.wait_indirect_dma semaphore(%arg9 : memref<!tpu.dma_semaphore, #tpu.memory_space<semaphore_mem>>) src(%dma_wait3A_498 : memref<128x16xf32, #tpu.memory_space<vmem>>) dst(%dma_wait3A_504 : memref<1024x16xf32, #tpu.memory_space<vmem_shared>>)
      %dma_wait3A_505 = arith.constant 0 : i32
      %dma_wait3A_506 = tpu.memref_slice %arg5[%mul3A_463, %dma_wait3A_505] : memref<3200x16xf32, #tpu.memory_space<vmem>> -> memref<128x16xf32, #tpu.memory_space<vmem>>
      %dma_wait3A_507 = arith.constant 0 : i32
      %dma_wait3A_508 = tpu.memref_slice %arg6[%add3A_465, %dma_wait3A_507] : memref<25x128xi32, #tpu.memory_space<vmem>> -> memref<1x128xi32, #tpu.memory_space<vmem>>
      %dma_wait3A_509 = tpu.memref_squeeze %dma_wait3A_508 : memref<1x128xi32, #tpu.memory_space<vmem>> -> memref<128xi32, #tpu.memory_space<vmem>>
      %dma_wait3A_510 = arith.constant 0 : i32
      %dma_wait3A_511 = arith.constant 0 : i32
      %dma_wait3A_512 = tpu.memref_slice %arg8[%dma_wait3A_510, %dma_wait3A_511] : memref<1024x16xf32, #tpu.memory_space<vmem_shared>> -> memref<1024x16xf32, #tpu.memory_space<vmem_shared>>
      tpu.wait_indirect_dma semaphore(%arg9 : memref<!tpu.dma_semaphore, #tpu.memory_space<semaphore_mem>>) src(%dma_wait3A_506 : memref<128x16xf32, #tpu.memory_space<vmem>>) dst(%dma_wait3A_512 : memref<1024x16xf32, #tpu.memory_space<vmem_shared>>)
    }
    %scan3A_393 = arith.constant 5 : i32
    %barrier3A_394 = arith.constant 0 : index
    tpu.barrier barrier_id(%barrier3A_394)
    %mul3A_395 = arith.constant 64 : i32
    %mul3A_396 = arith.muli %arg1, %mul3A_395 : i32
    "tpu.region"() ({
      %run_scoped3A = tpu.sem_alloc : memref<!tpu.dma_semaphore, #tpu.memory_space<semaphore_mem>>
      %dma_start3A = arith.constant 0 : i32
      %dma_start3A_402 = tpu.memref_slice %arg8[%mul3A_396, %dma_start3A] : memref<1024x16xf32, #tpu.memory_space<vmem_shared>> -> memref<64x16xf32, #tpu.memory_space<vmem_shared>>
      %dma_start3A_403 = arith.constant 0 : i32
      %dma_start3A_404 = tpu.memref_slice %arg8[%mul3A_396, %dma_start3A_403] : memref<1024x16xf32, #tpu.memory_space<vmem_shared>> -> memref<64x16xf32, #tpu.memory_space<vmem_shared>>
      tpu.enqueue_dma source(%dma_start3A_404 : memref<64x16xf32, #tpu.memory_space<vmem_shared>>) target(%arg7 : memref<64x16xf32, #tpu.memory_space<vmem>>) target_semaphore(%run_scoped3A : memref<!tpu.dma_semaphore, #tpu.memory_space<semaphore_mem>>)
      %dma_wait3A = arith.constant 0 : i32
      %dma_wait3A_405 = tpu.memref_slice %arg8[%mul3A_396, %dma_wait3A] : memref<1024x16xf32, #tpu.memory_space<vmem_shared>> -> memref<64x16xf32, #tpu.memory_space<vmem_shared>>
      %dma_wait3A_406 = arith.constant 0 : i32
      %dma_wait3A_407 = tpu.memref_slice %arg8[%mul3A_396, %dma_wait3A_406] : memref<1024x16xf32, #tpu.memory_space<vmem_shared>> -> memref<64x16xf32, #tpu.memory_space<vmem_shared>>
      tpu.wait_dma2 semaphore(%run_scoped3A : memref<!tpu.dma_semaphore, #tpu.memory_space<semaphore_mem>>) src(%dma_wait3A_407 : memref<64x16xf32, #tpu.memory_space<vmem_shared>>) dst(%arg7 : memref<64x16xf32, #tpu.memory_space<vmem>>)
      tpu.yield
    }) : () -> ()
    %mul3A_397 = arith.constant 1024 : i32
    %mul3A_398 = arith.muli %arg0, %mul3A_397 : i32
    %mul3A_399 = arith.constant 64 : i32
    %mul3A_400 = arith.muli %arg1, %mul3A_399 : i32
    %add3A_401 = arith.addi %mul3A_398, %mul3A_400 : i32
    "tpu.region"() ({
      %run_scoped3A = tpu.sem_alloc : memref<!tpu.dma_semaphore, #tpu.memory_space<semaphore_mem>>
      %dma_start3A = arith.constant 0 : i32
      %dma_start3A_402 = tpu.memref_slice %arg4[%add3A_401, %dma_start3A] : memref<2048x16xf32, #tpu.memory_space<hbm>> -> memref<64x16xf32, #tpu.memory_space<hbm>>
      %dma_start3A_403 = arith.constant 0 : i32
      %dma_start3A_404 = tpu.memref_slice %arg4[%add3A_401, %dma_start3A_403] : memref<2048x16xf32, #tpu.memory_space<hbm>> -> memref<64x16xf32, #tpu.memory_space<hbm>>
      tpu.enqueue_dma source(%arg7 : memref<64x16xf32, #tpu.memory_space<vmem>>) target(%dma_start3A_404 : memref<64x16xf32, #tpu.memory_space<hbm>>) target_semaphore(%run_scoped3A : memref<!tpu.dma_semaphore, #tpu.memory_space<semaphore_mem>>)
      %dma_wait3A = arith.constant 0 : i32
      %dma_wait3A_405 = tpu.memref_slice %arg4[%add3A_401, %dma_wait3A] : memref<2048x16xf32, #tpu.memory_space<hbm>> -> memref<64x16xf32, #tpu.memory_space<hbm>>
      %dma_wait3A_406 = arith.constant 0 : i32
      %dma_wait3A_407 = tpu.memref_slice %arg4[%add3A_401, %dma_wait3A_406] : memref<2048x16xf32, #tpu.memory_space<hbm>> -> memref<64x16xf32, #tpu.memory_space<hbm>>
      tpu.wait_dma2 semaphore(%run_scoped3A : memref<!tpu.dma_semaphore, #tpu.memory_space<semaphore_mem>>) src(%arg7 : memref<64x16xf32, #tpu.memory_space<vmem>>) dst(%dma_wait3A_407 : memref<64x16xf32, #tpu.memory_space<hbm>>)
      tpu.yield
    }) : () -> ()
    return
  }
}

module attributes {stable_mosaic.version = 14 : i64} {
  func.func @_dense_body(%arg0: i32, %arg1: memref<3x12800xf32, #tpu.memory_space<vmem>>, %arg2: memref<128x3xf32, #tpu.memory_space<vmem>>, %arg3: memref<3x128xf32, #tpu.memory_space<vmem>>, %arg4: memref<3x1xf32, #tpu.memory_space<vmem>>, %arg5: memref<1x128xf32, #tpu.memory_space<vmem>>, %arg6: memref<3x12800xf32, #tpu.memory_space<vmem>>, %arg7: memref<16x12800xf32, #tpu.memory_space<vmem>>) attributes {dimension_semantics = [#tpu.dimension_semantics<arbitrary>], iteration_bounds = array<i64: 8>, scalar_prefetch = 0 : i64, scratch_operands = 0 : i64, tpu.core_type = #tpu.core_type<tc>, window_params = [{transform_indices = @transform_0, window_bounds = array<i64: 3, 12800>}, {pipeline_mode = #tpu.pipeline_mode<synchronous>, transform_indices = @transform_1, window_bounds = array<i64: 128, 3>}, {pipeline_mode = #tpu.pipeline_mode<synchronous>, transform_indices = @transform_2, window_bounds = array<i64: 3, 128>}, {pipeline_mode = #tpu.pipeline_mode<synchronous>, transform_indices = @transform_3, window_bounds = array<i64: 3, 1>}, {pipeline_mode = #tpu.pipeline_mode<synchronous>, transform_indices = @transform_4, window_bounds = array<i64: 1, 128>}, {transform_indices = @transform_5, window_bounds = array<i64: 3, 12800>}, {transform_indices = @transform_6, window_bounds = array<i64: 16, 12800>}]} {
    %get3A = arith.constant 0 : index
    %get3A_0 = arith.constant 0 : index
    %get3A_1 = vector.load %arg1[%get3A, %get3A_0] : memref<3x12800xf32, #tpu.memory_space<vmem>>, vector<3x12800xf32>
    %get3A_2 = arith.constant 0 : index
    %get3A_3 = arith.constant 0 : index
    %get3A_4 = vector.load %arg2[%get3A_2, %get3A_3] : memref<128x3xf32, #tpu.memory_space<vmem>>, vector<128x3xf32>
    %get3A_5 = arith.constant 0 : index
    %get3A_6 = arith.constant 0 : index
    %get3A_7 = vector.load %arg3[%get3A_5, %get3A_6] : memref<3x128xf32, #tpu.memory_space<vmem>>, vector<3x128xf32>
    %get3A_8 = arith.constant 0 : index
    %get3A_9 = arith.constant 0 : index
    %get3A_10 = vector.load %arg4[%get3A_8, %get3A_9] : memref<3x1xf32, #tpu.memory_space<vmem>>, vector<3x1xf32>
    %get3A_11 = arith.constant 0 : index
    %get3A_12 = arith.constant 0 : index
    %get3A_13 = vector.load %arg5[%get3A_11, %get3A_12] : memref<1x128xf32, #tpu.memory_space<vmem>>, vector<1x128xf32>
    %dot_general3A = arith.constant dense<0.000000e+00> : vector<128x12800xf32>
    %dot_general3A_14 = tpu.matmul %get3A_4, %get3A_1, %dot_general3A {dimension_numbers = #tpu.dot_dimension_numbers<[1], [0], [0], [1], [0, 0, 1, 1], [], []>, transpose_lhs_hint = false} : vector<128x3xf32>, vector<3x12800xf32>, vector<128x12800xf32> -> vector<128x12800xf32>
    %mul3A = arith.mulf %dot_general3A_14, %dot_general3A_14 : vector<128x12800xf32>
    %mul3A_15 = arith.constant -8.60467184E-11 : f32
    %mul3A_16 = vector.broadcast %mul3A_15 : f32 to vector<128x12800xf32>
    %mul3A_17 = arith.mulf %mul3A_16, %mul3A : vector<128x12800xf32>
    %add3A = arith.constant 5.12229725E-8 : f32
    %add3A_18 = vector.broadcast %add3A : f32 to vector<128x12800xf32>
    %add3A_19 = arith.addf %mul3A_17, %add3A_18 : vector<128x12800xf32>
    %mul3A_20 = arith.mulf %add3A_19, %mul3A : vector<128x12800xf32>
    %add3A_21 = arith.constant 1.48572235E-5 : f32
    %add3A_22 = vector.broadcast %add3A_21 : f32 to vector<128x12800xf32>
    %add3A_23 = arith.addf %mul3A_20, %add3A_22 : vector<128x12800xf32>
    %mul3A_24 = arith.mulf %add3A_23, %mul3A : vector<128x12800xf32>
    %add3A_25 = arith.constant 6.37261954E-4 : f32
    %add3A_26 = vector.broadcast %add3A_25 : f32 to vector<128x12800xf32>
    %add3A_27 = arith.addf %mul3A_24, %add3A_26 : vector<128x12800xf32>
    %mul3A_28 = arith.mulf %add3A_27, %mul3A : vector<128x12800xf32>
    %add3A_29 = arith.constant 0.00489352457 : f32
    %add3A_30 = vector.broadcast %add3A_29 : f32 to vector<128x12800xf32>
    %add3A_31 = arith.addf %mul3A_28, %add3A_30 : vector<128x12800xf32>
    %mul3A_32 = arith.constant 1.19825836E-6 : f32
    %mul3A_33 = vector.broadcast %mul3A_32 : f32 to vector<128x12800xf32>
    %mul3A_34 = arith.mulf %mul3A_33, %mul3A : vector<128x12800xf32>
    %add3A_35 = arith.constant 1.18534706E-4 : f32
    %add3A_36 = vector.broadcast %add3A_35 : f32 to vector<128x12800xf32>
    %add3A_37 = arith.addf %mul3A_34, %add3A_36 : vector<128x12800xf32>
    %mul3A_38 = arith.mulf %add3A_37, %mul3A : vector<128x12800xf32>
    %add3A_39 = arith.constant 0.00226843474 : f32
    %add3A_40 = vector.broadcast %add3A_39 : f32 to vector<128x12800xf32>
    %add3A_41 = arith.addf %mul3A_38, %add3A_40 : vector<128x12800xf32>
    %mul3A_42 = arith.mulf %add3A_41, %mul3A : vector<128x12800xf32>
    %add3A_43 = arith.constant 0.00489352504 : f32
    %add3A_44 = vector.broadcast %add3A_43 : f32 to vector<128x12800xf32>
    %add3A_45 = arith.addf %mul3A_42, %add3A_44 : vector<128x12800xf32>
    %mul3A_46 = arith.mulf %dot_general3A_14, %add3A_31 : vector<128x12800xf32>
    %div3A = arith.divf %mul3A_46, %add3A_45 : vector<128x12800xf32>
    %dot_general3A_47 = arith.constant dense<0.000000e+00> : vector<1x12800xf32>
    %dot_general3A_48 = tpu.matmul %get3A_13, %div3A, %dot_general3A_47 {dimension_numbers = #tpu.dot_dimension_numbers<[1], [0], [0], [1], [0, 0, 1, 1], [], []>, transpose_lhs_hint = false} : vector<1x128xf32>, vector<128x12800xf32>, vector<1x12800xf32> -> vector<1x12800xf32>
    %mul3A_49 = arith.mulf %div3A, %div3A : vector<128x12800xf32>
    %dot_general3A_50 = arith.constant dense<0.000000e+00> : vector<3x12800xf32>
    %dot_general3A_51 = tpu.matmul %get3A_7, %mul3A_49, %dot_general3A_50 {dimension_numbers = #tpu.dot_dimension_numbers<[1], [0], [0], [1], [0, 0, 1, 1], [], []>, transpose_lhs_hint = false} : vector<3x128xf32>, vector<128x12800xf32>, vector<3x12800xf32> -> vector<3x12800xf32>
    %sub3A = vector.broadcast %get3A_10 : vector<3x1xf32> to vector<3x12800xf32>
    %sub3A_52 = arith.subf %dot_general3A_51, %sub3A : vector<3x12800xf32>
    %swap3A = arith.constant 0 : index
    %swap3A_53 = arith.constant 0 : index
    %swap3A_54 = vector.load %arg6[%swap3A, %swap3A_53] : memref<3x12800xf32, #tpu.memory_space<vmem>>, vector<3x12800xf32>
    tpu.vector_store %arg6[%swap3A, %swap3A_53], %sub3A_52 {strides = array<i32>} : memref<3x12800xf32, #tpu.memory_space<vmem>>, vector<3x12800xf32>,
    %slice3A = vector.extract_strided_slice %get3A_1 {offsets = [0, 0], sizes = [1, 12800], strides = [1, 1]} : vector<3x12800xf32> to vector<1x12800xf32>
    %slice3A_55 = vector.extract_strided_slice %sub3A_52 {offsets = [0, 0], sizes = [1, 12800], strides = [1, 1]} : vector<3x12800xf32> to vector<1x12800xf32>
    %mul3A_56 = arith.mulf %slice3A, %slice3A_55 : vector<1x12800xf32>
    %slice3A_57 = vector.extract_strided_slice %sub3A_52 {offsets = [1, 0], sizes = [1, 12800], strides = [1, 1]} : vector<3x12800xf32> to vector<1x12800xf32>
    %mul3A_58 = arith.mulf %slice3A, %slice3A_57 : vector<1x12800xf32>
    %slice3A_59 = vector.extract_strided_slice %sub3A_52 {offsets = [2, 0], sizes = [1, 12800], strides = [1, 1]} : vector<3x12800xf32> to vector<1x12800xf32>
    %mul3A_60 = arith.mulf %slice3A, %slice3A_59 : vector<1x12800xf32>
    %slice3A_61 = vector.extract_strided_slice %get3A_1 {offsets = [1, 0], sizes = [1, 12800], strides = [1, 1]} : vector<3x12800xf32> to vector<1x12800xf32>
    %slice3A_62 = vector.extract_strided_slice %sub3A_52 {offsets = [0, 0], sizes = [1, 12800], strides = [1, 1]} : vector<3x12800xf32> to vector<1x12800xf32>
    %mul3A_63 = arith.mulf %slice3A_61, %slice3A_62 : vector<1x12800xf32>
    %slice3A_64 = vector.extract_strided_slice %sub3A_52 {offsets = [1, 0], sizes = [1, 12800], strides = [1, 1]} : vector<3x12800xf32> to vector<1x12800xf32>
    %mul3A_65 = arith.mulf %slice3A_61, %slice3A_64 : vector<1x12800xf32>
    %slice3A_66 = vector.extract_strided_slice %sub3A_52 {offsets = [2, 0], sizes = [1, 12800], strides = [1, 1]} : vector<3x12800xf32> to vector<1x12800xf32>
    %mul3A_67 = arith.mulf %slice3A_61, %slice3A_66 : vector<1x12800xf32>
    %slice3A_68 = vector.extract_strided_slice %get3A_1 {offsets = [2, 0], sizes = [1, 12800], strides = [1, 1]} : vector<3x12800xf32> to vector<1x12800xf32>
    %slice3A_69 = vector.extract_strided_slice %sub3A_52 {offsets = [0, 0], sizes = [1, 12800], strides = [1, 1]} : vector<3x12800xf32> to vector<1x12800xf32>
    %mul3A_70 = arith.mulf %slice3A_68, %slice3A_69 : vector<1x12800xf32>
    %slice3A_71 = vector.extract_strided_slice %sub3A_52 {offsets = [1, 0], sizes = [1, 12800], strides = [1, 1]} : vector<3x12800xf32> to vector<1x12800xf32>
    %mul3A_72 = arith.mulf %slice3A_68, %slice3A_71 : vector<1x12800xf32>
    %slice3A_73 = vector.extract_strided_slice %sub3A_52 {offsets = [2, 0], sizes = [1, 12800], strides = [1, 1]} : vector<3x12800xf32> to vector<1x12800xf32>
    %mul3A_74 = arith.mulf %slice3A_68, %slice3A_73 : vector<1x12800xf32>
    %broadcast_in_dim3A = arith.constant 0.000000e+00 : f32
    %broadcast_in_dim3A_75 = vector.broadcast %broadcast_in_dim3A : f32 to vector<6x12800xf32>
    %concatenate3A = tpu.concatenate %dot_general3A_48, %mul3A_56, %mul3A_58, %mul3A_60, %mul3A_63, %mul3A_65, %mul3A_67, %mul3A_70, %mul3A_72, %mul3A_74, %broadcast_in_dim3A_75 in 0 : vector<1x12800xf32>, vector<1x12800xf32>, vector<1x12800xf32>, vector<1x12800xf32>, vector<1x12800xf32>, vector<1x12800xf32>, vector<1x12800xf32>, vector<1x12800xf32>, vector<1x12800xf32>, vector<1x12800xf32>, vector<6x12800xf32> -> vector<16x12800xf32>
    %swap3A_76 = arith.constant 0 : index
    %swap3A_77 = arith.constant 0 : index
    %swap3A_78 = vector.load %arg7[%swap3A_76, %swap3A_77] : memref<16x12800xf32, #tpu.memory_space<vmem>>, vector<16x12800xf32>
    tpu.vector_store %arg7[%swap3A_76, %swap3A_77], %concatenate3A {strides = array<i32>} : memref<16x12800xf32, #tpu.memory_space<vmem>>, vector<16x12800xf32>,
    return
  }
  func.func @transform_0(%arg0: i32) -> (i32, i32) {
    %c0_i32 = arith.constant 0 : i32
    %c0_i32_0 = arith.constant 0 : i32
    return %c0_i32, %arg0 : i32, i32
  }
  func.func @transform_1(%arg0: i32) -> (i32, i32) {
    %c0_i32 = arith.constant 0 : i32
    %c0_i32_0 = arith.constant 0 : i32
    %c0_i32_1 = arith.constant 0 : i32
    return %c0_i32, %c0_i32_0 : i32, i32
  }
  func.func @transform_2(%arg0: i32) -> (i32, i32) {
    %c0_i32 = arith.constant 0 : i32
    %c0_i32_0 = arith.constant 0 : i32
    %c0_i32_1 = arith.constant 0 : i32
    return %c0_i32, %c0_i32_0 : i32, i32
  }
  func.func @transform_3(%arg0: i32) -> (i32, i32) {
    %c0_i32 = arith.constant 0 : i32
    %c0_i32_0 = arith.constant 0 : i32
    %c0_i32_1 = arith.constant 0 : i32
    return %c0_i32, %c0_i32_0 : i32, i32
  }
  func.func @transform_4(%arg0: i32) -> (i32, i32) {
    %c0_i32 = arith.constant 0 : i32
    %c0_i32_0 = arith.constant 0 : i32
    %c0_i32_1 = arith.constant 0 : i32
    return %c0_i32, %c0_i32_0 : i32, i32
  }
  func.func @transform_5(%arg0: i32) -> (i32, i32) {
    %c0_i32 = arith.constant 0 : i32
    %c0_i32_0 = arith.constant 0 : i32
    return %c0_i32, %arg0 : i32, i32
  }
  func.func @transform_6(%arg0: i32) -> (i32, i32) {
    %c0_i32 = arith.constant 0 : i32
    %c0_i32_0 = arith.constant 0 : i32
    return %c0_i32, %arg0 : i32, i32
  }
}

module attributes {stable_mosaic.version = 14 : i64} {
  func.func @_finish_body(%arg0: i32, %arg1: memref<2x128x16xf32, #tpu.memory_space<vmem>>, %arg2: memref<128x9xf32, #tpu.memory_space<vmem>>, %arg3: memref<128x1xf32, #tpu.memory_space<vmem>>, %arg4: memref<128x6xf32, #tpu.memory_space<vmem>>) attributes {dimension_semantics = [#tpu.dimension_semantics<arbitrary>], iteration_bounds = array<i64: 8>, scalar_prefetch = 0 : i64, scratch_operands = 0 : i64, tpu.core_type = #tpu.core_type<tc>, window_params = [{transform_indices = @transform_0, window_bounds = array<i64: 2, 128, 16>}, {transform_indices = @transform_1, window_bounds = array<i64: 128, 9>}, {transform_indices = @transform_2, window_bounds = array<i64: 128, 1>}, {transform_indices = @transform_3, window_bounds = array<i64: 128, 6>}]} {
    %get3A = arith.constant 0 : index
    %get3A_0 = arith.constant 0 : index
    %get3A_1 = arith.constant 0 : index
    %get3A_2 = vector.load %arg1[%get3A, %get3A_0, %get3A_1] : memref<2x128x16xf32, #tpu.memory_space<vmem>>, vector<1x128x16xf32>
    %get3A_3 = vector.shape_cast %get3A_2 : vector<1x128x16xf32> to vector<128x16xf32>
    %get3A_4 = arith.constant 1 : index
    %get3A_5 = arith.constant 0 : index
    %get3A_6 = arith.constant 0 : index
    %get3A_7 = vector.load %arg1[%get3A_4, %get3A_5, %get3A_6] : memref<2x128x16xf32, #tpu.memory_space<vmem>>, vector<1x128x16xf32>
    %get3A_8 = vector.shape_cast %get3A_7 : vector<1x128x16xf32> to vector<128x16xf32>
    %add3A = arith.addf %get3A_3, %get3A_8 : vector<128x16xf32>
    %slice3A = vector.extract_strided_slice %add3A {offsets = [0, 0], sizes = [128, 1], strides = [1, 1]} : vector<128x16xf32> to vector<128x1xf32>
    %swap3A = arith.constant 0 : index
    %swap3A_9 = arith.constant 0 : index
    %swap3A_10 = vector.load %arg3[%swap3A, %swap3A_9] : memref<128x1xf32, #tpu.memory_space<vmem>>, vector<128x1xf32>
    tpu.vector_store %arg3[%swap3A, %swap3A_9], %slice3A {strides = array<i32>} : memref<128x1xf32, #tpu.memory_space<vmem>>, vector<128x1xf32>,
    %get3A_11 = arith.constant 0 : index
    %get3A_12 = arith.constant 0 : index
    %get3A_13 = vector.load %arg2[%get3A_11, %get3A_12] : memref<128x9xf32, #tpu.memory_space<vmem>>, vector<128x9xf32>
    %slice3A_14 = vector.extract_strided_slice %get3A_13 {offsets = [0, 4], sizes = [128, 1], strides = [1, 1]} : vector<128x9xf32> to vector<128x1xf32>
    %slice3A_15 = vector.extract_strided_slice %get3A_13 {offsets = [0, 8], sizes = [128, 1], strides = [1, 1]} : vector<128x9xf32> to vector<128x1xf32>
    %mul3A = arith.mulf %slice3A_14, %slice3A_15 : vector<128x1xf32>
    %slice3A_16 = vector.extract_strided_slice %get3A_13 {offsets = [0, 5], sizes = [128, 1], strides = [1, 1]} : vector<128x9xf32> to vector<128x1xf32>
    %slice3A_17 = vector.extract_strided_slice %get3A_13 {offsets = [0, 7], sizes = [128, 1], strides = [1, 1]} : vector<128x9xf32> to vector<128x1xf32>
    %mul3A_18 = arith.mulf %slice3A_16, %slice3A_17 : vector<128x1xf32>
    %sub3A = arith.subf %mul3A, %mul3A_18 : vector<128x1xf32>
    %slice3A_19 = vector.extract_strided_slice %get3A_13 {offsets = [0, 5], sizes = [128, 1], strides = [1, 1]} : vector<128x9xf32> to vector<128x1xf32>
    %slice3A_20 = vector.extract_strided_slice %get3A_13 {offsets = [0, 6], sizes = [128, 1], strides = [1, 1]} : vector<128x9xf32> to vector<128x1xf32>
    %mul3A_21 = arith.mulf %slice3A_19, %slice3A_20 : vector<128x1xf32>
    %slice3A_22 = vector.extract_strided_slice %get3A_13 {offsets = [0, 3], sizes = [128, 1], strides = [1, 1]} : vector<128x9xf32> to vector<128x1xf32>
    %slice3A_23 = vector.extract_strided_slice %get3A_13 {offsets = [0, 8], sizes = [128, 1], strides = [1, 1]} : vector<128x9xf32> to vector<128x1xf32>
    %mul3A_24 = arith.mulf %slice3A_22, %slice3A_23 : vector<128x1xf32>
    %sub3A_25 = arith.subf %mul3A_21, %mul3A_24 : vector<128x1xf32>
    %slice3A_26 = vector.extract_strided_slice %get3A_13 {offsets = [0, 3], sizes = [128, 1], strides = [1, 1]} : vector<128x9xf32> to vector<128x1xf32>
    %slice3A_27 = vector.extract_strided_slice %get3A_13 {offsets = [0, 7], sizes = [128, 1], strides = [1, 1]} : vector<128x9xf32> to vector<128x1xf32>
    %mul3A_28 = arith.mulf %slice3A_26, %slice3A_27 : vector<128x1xf32>
    %slice3A_29 = vector.extract_strided_slice %get3A_13 {offsets = [0, 4], sizes = [128, 1], strides = [1, 1]} : vector<128x9xf32> to vector<128x1xf32>
    %slice3A_30 = vector.extract_strided_slice %get3A_13 {offsets = [0, 6], sizes = [128, 1], strides = [1, 1]} : vector<128x9xf32> to vector<128x1xf32>
    %mul3A_31 = arith.mulf %slice3A_29, %slice3A_30 : vector<128x1xf32>
    %sub3A_32 = arith.subf %mul3A_28, %mul3A_31 : vector<128x1xf32>
    %slice3A_33 = vector.extract_strided_slice %get3A_13 {offsets = [0, 0], sizes = [128, 1], strides = [1, 1]} : vector<128x9xf32> to vector<128x1xf32>
    %mul3A_34 = arith.mulf %slice3A_33, %sub3A : vector<128x1xf32>
    %slice3A_35 = vector.extract_strided_slice %get3A_13 {offsets = [0, 1], sizes = [128, 1], strides = [1, 1]} : vector<128x9xf32> to vector<128x1xf32>
    %mul3A_36 = arith.mulf %slice3A_35, %sub3A_25 : vector<128x1xf32>
    %add3A_37 = arith.addf %mul3A_34, %mul3A_36 : vector<128x1xf32>
    %slice3A_38 = vector.extract_strided_slice %get3A_13 {offsets = [0, 2], sizes = [128, 1], strides = [1, 1]} : vector<128x9xf32> to vector<128x1xf32>
    %mul3A_39 = arith.mulf %slice3A_38, %sub3A_32 : vector<128x1xf32>
    %add3A_40 = arith.addf %add3A_37, %mul3A_39 : vector<128x1xf32>
    %abs3A = math.absf %add3A_40 : vector<128x1xf32>
    %slice3A_41 = vector.extract_strided_slice %add3A {offsets = [0, 1], sizes = [128, 1], strides = [1, 1]} : vector<128x16xf32> to vector<128x1xf32>
    %slice3A_42 = vector.extract_strided_slice %add3A {offsets = [0, 5], sizes = [128, 1], strides = [1, 1]} : vector<128x16xf32> to vector<128x1xf32>
    %slice3A_43 = vector.extract_strided_slice %add3A {offsets = [0, 9], sizes = [128, 1], strides = [1, 1]} : vector<128x16xf32> to vector<128x1xf32>
    %slice3A_44 = vector.extract_strided_slice %add3A {offsets = [0, 6], sizes = [128, 1], strides = [1, 1]} : vector<128x16xf32> to vector<128x1xf32>
    %slice3A_45 = vector.extract_strided_slice %add3A {offsets = [0, 7], sizes = [128, 1], strides = [1, 1]} : vector<128x16xf32> to vector<128x1xf32>
    %slice3A_46 = vector.extract_strided_slice %add3A {offsets = [0, 2], sizes = [128, 1], strides = [1, 1]} : vector<128x16xf32> to vector<128x1xf32>
    %concatenate3A = tpu.concatenate %slice3A_41, %slice3A_42, %slice3A_43, %slice3A_44, %slice3A_45, %slice3A_46 in 1 : vector<128x1xf32>, vector<128x1xf32>, vector<128x1xf32>, vector<128x1xf32>, vector<128x1xf32>, vector<128x1xf32> -> vector<128x6xf32>
    %div3A = vector.broadcast %abs3A : vector<128x1xf32> to vector<128x6xf32>
    %div3A_47 = arith.divf %concatenate3A, %div3A : vector<128x6xf32>
    %swap3A_48 = arith.constant 0 : index
    %swap3A_49 = arith.constant 0 : index
    %swap3A_50 = vector.load %arg4[%swap3A_48, %swap3A_49] : memref<128x6xf32, #tpu.memory_space<vmem>>, vector<128x6xf32>
    tpu.vector_store %arg4[%swap3A_48, %swap3A_49], %div3A_47 {strides = array<i32>} : memref<128x6xf32, #tpu.memory_space<vmem>>, vector<128x6xf32>,
    return
  }
  func.func @transform_0(%arg0: i32) -> (i32, i32, i32) {
    %c0_i32 = arith.constant 0 : i32
    %c0_i32_0 = arith.constant 0 : i32
    %c0_i32_1 = arith.constant 0 : i32
    return %c0_i32, %arg0, %c0_i32_0 : i32, i32, i32
  }
  func.func @transform_1(%arg0: i32) -> (i32, i32) {
    %c0_i32 = arith.constant 0 : i32
    %c0_i32_0 = arith.constant 0 : i32
    return %arg0, %c0_i32 : i32, i32
  }
  func.func @transform_2(%arg0: i32) -> (i32, i32) {
    %c0_i32 = arith.constant 0 : i32
    %c0_i32_0 = arith.constant 0 : i32
    return %arg0, %c0_i32 : i32, i32
  }
  func.func @transform_3(%arg0: i32) -> (i32, i32) {
    %c0_i32 = arith.constant 0 : i32
    %c0_i32_0 = arith.constant 0 : i32
    return %arg0, %c0_i32 : i32, i32
  }
}

</mosaic_0001>

<sc_bundles>
// kernel: kernel.5.cloned.1.call-start
scs
__scs_entry_jumppad:
0x0: {  	(pc) =	sbr.rel $0x88, $3  }
0x1: {  	(tag) =	ssettag $0x0;
	lr =	simm.s32 $0x1  }
0x2: {  	[smem:$0x3F9C] =	sst lr;
	_ =	strace $0xD0000000  }
0x3: {  	_ = 	snop  }
0x4: {  	_ = 	snop  }
0x5: {  	_ = 	snop  }
0x6: {  	_ = 	snop  }
0x7: {  	_ = 	snop  }
__scs_overlays_trampoline_lowered:
0x8: {  	[smem:$0x3FAB] =	sst s0  }
0x9: {  	[smem:$0x3FAC] =	sst s1  }
0xa: {  	[smem:$0x3FAD] =	sst s2  }
0xb: {  	[smem:$0x3FAE] =	sst s3  }
0xc: {  	[smem:$0x3FAF] =	sst s4  }
0xd: {  	[smem:$0x3FB0] =	sst s5  }
0xe: {  	[smem:$0x3FB1] =	sst s6  }
0xf: {  	[smem:$0x3FB2] =	sst s7  }
0x10: {  	[smem:$0x3FB3] =	sst s8  }
0x11: {  	[smem:$0x3FB4] =	sst s9;
	s0 =	simm.s32 @!p0 $0x0  }
0x12: {  	s1 =	sld [smem:$0x3F9A];
	s0 =	simm.s32 @p0 $0x1  }
0x13: {  	[smem:$0x3FB5] =	sst s0;
	s0 =	simm.s32 @!p1 $0x0  }
0x14: {  	s2 =	sld [smem:$0x3F99];
	s0 =	simm.s32 @p1 $0x1  }
0x15: {  	[smem:$0x3FB6] =	sst s0;
	s0 =	simm.s32 @!p2 $0x0  }
0x16: {  	s3 =	sld [smem:$0x3FDB];
	s0 =	simm.s32 @p2 $0x1  }
0x17: {  	s4 =	simm.s32 $0x1BF5;
	[smem:$0x3FB8] =	sst s0  }
0x18: {  	s0 =	sld [smem:$0x3F9B];
	_ =	swait.ge [sflag:s4], $0x0  }
0x19: {  	s7 =	sld [smem:$0x3F9C]  }
0x1a: {  	s8 =	sadd.s32 $0xFFFFE003, lr  }
0x1b: {  	s9 =	sadd.s32 $0xFFFFFEF7, lr;
	s5 =	simm.s32 $0xFFFFFFFF;
	p2 =	slt.u32 s8, $0xFFFFF086  }
0x1c: {  	p1 =	slt.u32 s9, $0xF7A;
	s5 =	simm.s32 @!p2 $0x0  }
0x1d: {  	s5 =	simm.s32 @p1 $0x1;
	p0 =	seq.s32 s7, s2  }
0x1e: {  	s7 =	smul.u32 @!p0 $0xF7A, s2;
	p2 =	seq.s32 @!p0 s5, $0x0  }
0x1f: {  	s9 =	smul.u32 $0xF7A, s1;
	s8 =	simm.s32 @!p0 $0x1BF5;
	p2 =	por !p2, p0  }
0x20: {  	[sflag:s8] =	ssyncset.s32 @!p0 $0xFFFFF086;
	s6 =	sadd.s32 @!p0 s3, s7;
	s7 =	simm.s32 @!p0 $0x108  }
0x21: {  	s3 =	sadd.s32 s3, s9;
	s6 =	sadd.s32 @!p0 $0x88, s6;
	s7 =	simm.s32 @p2 $0x1082  }
0x22: {  	[simem:s7], [sflag:s8] =	dma.local @!p0 [hbm:s6], $0xF7A  }
0x23: {  	s9 =	sor.u32 $0xD0000000, s2;
	s6 =	simm.s32 $0x108;
	_ =	swait.ge @!p0 [sflag:s8], $0x0  }
0x24: {  	s3 =	sadd.s32 $0x88, s3;
	s6 =	simm.s32 @!p1 $0x1082;
	[sflag:s4] =	ssyncset.s32 $0xFFFFF086  }
0x25: {  	[simem:s6], [sflag:s4] =	dma.local [hbm:s3], $0xF7A  }
0x26: {  	[smem:$0x3F9C] =	sst s1;
	(tag) =	ssettag s2;
	_ =	strace s9  }
0x27: {  	s1 =	sld [smem:$0x3FAC]  }
0x28: {  	s2 =	sld [smem:$0x3FAD]  }
0x29: {  	s4 =	sld [smem:$0x3FAF]  }
0x2a: {  	p0 =	seq.s32 s5, $0x0;
	s5 =	sld [smem:$0x3FB0]  }
0x2b: {  	s6 =	sld [smem:$0x3FB1]  }
0x2c: {  	s7 =	sld [smem:$0x3FB2]  }
0x2d: {  	s3 =	simm.s32 $0x108;
	s8 =	sld [smem:$0x3FB3]  }
0x2e: {  	s3 =	simm.s32 @!p0 $0x1082;
	s9 =	sld [smem:$0x3FB4]  }
0x2f: {  	lr =	sadd.s32 s0, s3;
	s0 =	sld [smem:$0x3FAB]  }
0x30: {  	s3 =	sld [smem:$0x3FAE]  }
0x31: {  	[smem:$0x3FB7] =	sst s10  }
0x32: {  	s10 =	sld [smem:$0x3FB5];
	_ =	sdelay $0x3  }
0x33: {  	p0 =	seq.s32 s10, $0x1;
	s10 =	sld [smem:$0x3FB7];
	_ =	sdelay $0x3  }
0x34: {  	[smem:$0x3FB7] =	sst s10  }
0x35: {  	s10 =	sld [smem:$0x3FB6];
	_ =	sdelay $0x3  }
0x36: {  	p1 =	seq.s32 s10, $0x1;
	s10 =	sld [smem:$0x3FB7];
	_ =	sdelay $0x3  }
0x37: {  	[smem:$0x3FB7] =	sst s10  }
0x38: {  	s10 =	sld [smem:$0x3FB8]  }
0x39: {  	_ = 	snop;
	(pc) =	sbr.ind lr, $3  }
0x3a: {  	_ = 	snop  }
0x3b: {  	_ = 	snop  }
0x3c: {  	p2 =	seq.s32 s10, $0x1;
	s10 =	sld [smem:$0x3FB7]  }
0x3d: {  	_ =	shalt  }
0x3e: {  	_ =	shalt  }
0x3f: {  	_ =	shalt  }
0x40: {  	_ =	shalt  }
0x41: {  	_ =	shalt  }
0x42: {  	_ =	shalt  }
0x43: {  	_ =	shalt  }
0x44: {  	_ =	shalt  }
0x45: {  	_ =	shalt  }
0x46: {  	_ =	shalt  }
0x47: {  	_ =	shalt  }
0x48: {  	_ =	shalt  }
0x49: {  	_ =	shalt  }
0x4a: {  	_ =	shalt  }
0x4b: {  	_ =	shalt  }
0x4c: {  	_ =	shalt  }
0x4d: {  	_ =	shalt  }
0x4e: {  	_ =	shalt  }
0x4f: {  	_ =	shalt  }
0x50: {  	_ =	shalt  }
0x51: {  	_ =	shalt  }
0x52: {  	_ =	shalt  }
0x53: {  	_ =	shalt  }
0x54: {  	_ =	shalt  }
0x55: {  	_ =	shalt  }
0x56: {  	_ =	shalt  }
0x57: {  	_ =	shalt  }
0x58: {  	_ =	shalt  }
0x59: {  	_ =	shalt  }
0x5a: {  	_ =	shalt  }
0x5b: {  	_ =	shalt  }
0x5c: {  	_ =	shalt  }
0x5d: {  	_ =	shalt  }
0x5e: {  	_ =	shalt  }
0x5f: {  	_ =	shalt  }
0x60: {  	_ =	shalt  }
0x61: {  	_ =	shalt  }
0x62: {  	_ =	shalt  }
0x63: {  	_ =	shalt  }
0x64: {  	_ =	shalt  }
0x65: {  	_ =	shalt  }
0x66: {  	_ =	shalt  }
0x67: {  	_ =	shalt  }
0x68: {  	_ =	shalt  }
0x69: {  	_ =	shalt  }
0x6a: {  	_ =	shalt  }
0x6b: {  	_ =	shalt  }
0x6c: {  	_ =	shalt  }
0x6d: {  	_ =	shalt  }
0x6e: {  	_ =	shalt  }
0x6f: {  	_ =	shalt  }
0x70: {  	_ =	shalt  }
0x71: {  	_ =	shalt  }
0x72: {  	_ =	shalt  }
0x73: {  	_ =	shalt  }
0x74: {  	_ =	shalt  }
0x75: {  	_ =	shalt  }
0x76: {  	_ =	shalt  }
0x77: {  	_ =	shalt  }
0x78: {  	_ =	shalt  }
0x79: {  	_ =	shalt  }
0x7a: {  	_ =	shalt  }
0x7b: {  	_ =	shalt  }
0x7c: {  	_ =	shalt  }
0x7d: {  	_ =	shalt  }
0x7e: {  	_ =	shalt  }
0x7f: {  	_ =	shalt  }
0x80: {  	_ =	shalt  }
0x81: {  	_ =	shalt  }
0x82: {  	_ =	shalt  }
0x83: {  	_ =	shalt  }
0x84: {  	_ =	shalt  }
0x85: {  	_ =	shalt  }
0x86: {  	_ =	shalt  }
0x87: {  	_ =	shalt  }
.Lfunc_end0:
.L_simem_size_0:
called_computation_lowered:
.L_overlay_start_0:
0x88: {  	s2 =	sld [smem:$0x3FD9]  }
0x89: {  	s3 =	sld [smem:$0x3FFE];
	_ =	sdelay $0x1  }
0x8a: {  	s1 =	srdreg.scid  }
0x8b: {  	s0 =	sand.u32 $0x1, s1  }
0x8c: {  	s16 =	sshll.u32 s0, $0xA;
	s2 =	sadd.s32 s3, s2  }
0x8d: {  	s2 =	sadd.s32 s2, s16  }
0x8e: {  	[smem:$0x3FC3] =	sst s2  }
0x8f: {  	_ = 	snop  }
0x90: {  	(tm) =	ssettm $0x1  }
0x91: {  	s17 =	sld [smem:$0x3FFB];
	_ =	sdelay $0x3  }
0x92: {  	_ =	strace s17  }
0x93: {  	s2 =	sld [smem:$0x3FFC];
	_ =	sdelay $0x3  }
0x94: {  	_ =	strace s2  }
0x95: {  	s2 =	sld [smem:$0x3FFD];
	_ =	sdelay $0x3  }
0x96: {  	_ =	strace s2  }
0x97: {  	_ =	strace $0x8FFFFFFF  }
0x98: {  	s18 =	sld [smem:$0x3FDB];
	_ =	sdelay $0x1  }
0x99: {  	s19 =	simm.s32 $_scs_section_size  }
0x9a: {  	s4 =	simm.s32 $_size__tile_overlayer_lowered;
	s5 =	simm.s32 $_tile_overlayer_lowered  }
0x9b: {  	s22 =	simm.s32 $0x1BFF;
	s21 =	sshll.u32 s5, $0x1;
	s2 =	sadd.s32 s19, s18  }
0x9c: {  	s6 =	simm.s32 $0x0;
	s20 =	sshll.u32 s4, $0x1;
	s4 =	sadd.s32 s21, s2  }
0x9d: {  	[timem:s6], [sflag:s22] =	dma.local [hbm:s4], s20  }
0x9e: {  	_ =	swait.ge [sflag:s22], s20  }
0x9f: {  	s3 =	ssub.s32 $0x0, s20;
	[sflag:s22] =	ssyncset.done $0x0  }
0xa0: {  	[sflag:s22] =	ssyncadd.s32 s3;
	_ =	sdelay $0x1  }
0xa1: {  	s23 =	simm.s32 $0x1B8B  }
0xa2: {  	_ =	swait.ge [sflag:s23], $0x1  }
0xa3: {  	[sflag:s23] =	ssyncset.done $0x0  }
0xa4: {  	s25 =	simm.s32 $0x1B8E;
	s24 =	sld [smem:$0x3FFE];
	[sflag:s23] =	ssyncadd.s32 $0xFFFFFFFF  }
0xa5: {  	s26 =	simm.s32 $execute0_lowered;
	[smem:$0x3FD2] =	sst s25  }
0xa6: {  	s4 =	sshll.u32 s26, $0x1;
	_ =	strace $0x80000046;
	[dreg:$0x1] =	wrdreg $0xFFFFFFFF  }
0xa7: {  	s28 =	simm.s32 $_size_execute0_lowered;
	s2 =	sadd.s32 s2, s4;
	[dreg:$0x0] =	wrdreg $0x0  }
0xa8: {  	s4 =	sshll.u32 s28, $0x1;
	[dreg:$0x2] =	wrdreg s2  }
0xa9: {  	[dreg:$0x3] =	wrdreg s4  }
0xaa: {  	[dreg:$0x4] =	wrdreg $0xC0  }
0xab: {  	_ =	task [dreg:s6], $0x5FFFF  }
0xac: {  	[dreg:$0x1] =	wrdreg $0xFFFFFFFF  }
0xad: {  	[dreg:$0x0] =	wrdreg $0x60  }
0xae: {  	[dreg:$0x2] =	wrdreg s24  }
0xaf: {  	[dreg:$0x3] =	wrdreg $0xD8800  }
0xb0: {  	[dreg:$0x4] =	wrdreg $0x9  }
0xb1: {  	_ =	task.clear_ibuf [dreg:s6], $0x5FFFF;
	_ =	strace $0x90000046  }
0xb2: {  	s29 =	simm.s32 $0x9;
	_ =	strace $0x80000048  }
0xb3: {  	_ =	swait.ge [sflag:s29], $0x1  }
0xb4: {  	[sflag:s29] =	ssyncadd.s32 $0xFFFFFFFF  }
0xb5: {  	_ =	strace $0x90000048  }
0xb6: {  	_ =	sfence  }
0xb7: {  	s30 =	sld [smem:$0x0];
	_ =	sdelay $0x2  }
0xb8: {  	s31 =	sshll.u32 s1, $0xD;
	s1 =	sshrl.u32 s1, $0x2  }
0xb9: {  	s3 =	sand.u32 $0x4000, s31;
	s1 =	sadd.s32 s1, s30  }
0xba: {  	s0 =	sor.u32 s3, s0;
	s1 =	sshll.u32 s1, $0x11  }
0xbb: {  	s0 =	sor.u32 s1, s0  }
0xbc: {  	s0 =	sadd.s32 $0x8F2B, s0  }
0xbd: {  	[sflag:s0] =	ssyncadd.remote.s32 $0x1  }
0xbe: {  	_ =	sfence.sel $0xFFFF  }
0xbf: {  	[dreg:$0x0] =	wrdreg $0xFFFFFFFF;
	(pc) =	sbr.abs _section_cstart, $3  }
0xc0: {  	[dreg:$0x1] =	wrdreg $0xFFFFFFFF  }
0xc1: {  	_ =	task.clear_ibuf [dreg:s6], $0x2FFFF;
	_ =	strace $0x9FFFFFFF  }
0xc2: {  	(tm) =	ssettm $0x7FFFFFFF  }
0xc3: {  	_ =	shalt  }
tec
execute0_lowered:
.L_overlay_start_1:
0x0: {  	(tag) =	ssettag $0x1  }
0x1: {  	s4 =	rddreg [dreg:$0x0];
	s1 =	simm.s32 $0x0  }
0x2: {  	v0 =	vimm.f32 $0.0e+00;
	[smem:$0x7FF] =	sst s1  }
0x3: {  	s2 =	rddreg [dreg:$0x1];
	_ =	strace $0x80000047;
	[tilespmem:$0xD550] =	vst v0  }
0x4: {  	[tilespmem:$0xD560] =	vst v0  }
0x5: {  	[tilespmem:$0xD570] =	vst v0  }
0x6: {  	[tilespmem:$0xD580] =	vst v0  }
0x7: {  	[tilespmem:$0xD590] =	vst v0  }
0x8: {  	[tilespmem:$0xD5A0] =	vst v0  }
0x9: {  	[tilespmem:$0xD5B0] =	vst v0  }
0xa: {  	[tilespmem:$0xD5C0] =	vst v0  }
0xb: {  	[tilespmem:$0xD5D0] =	vst v0  }
0xc: {  	[tilespmem:$0xD5E0] =	vst v0  }
0xd: {  	[tilespmem:$0xD5F0] =	vst v0  }
0xe: {  	[tilespmem:$0xD600] =	vst v0  }
0xf: {  	[tilespmem:$0xD610] =	vst v0  }
0x10: {  	[tilespmem:$0xD620] =	vst v0  }
0x11: {  	[tilespmem:$0xD630] =	vst v0  }
0x12: {  	[tilespmem:$0xD480] =	vst v0  }
0x13: {  	[tilespmem:$0xD870] =	vst v0  }
0x14: {  	[tilespmem:$0xD860] =	vst v0  }
0x15: {  	[tilespmem:$0xD850] =	vst v0  }
0x16: {  	[tilespmem:$0xD840] =	vst v0  }
0x17: {  	[tilespmem:$0xD830] =	vst v0  }
0x18: {  	[tilespmem:$0xD820] =	vst v0  }
0x19: {  	[tilespmem:$0xD810] =	vst v0  }
0x1a: {  	[tilespmem:$0xD800] =	vst v0  }
0x1b: {  	[tilespmem:$0xD7F0] =	vst v0  }
0x1c: {  	[tilespmem:$0xD7E0] =	vst v0  }
0x1d: {  	[tilespmem:$0xD7D0] =	vst v0  }
0x1e: {  	[tilespmem:$0xD7C0] =	vst v0  }
0x1f: {  	[tilespmem:$0xD7B0] =	vst v0  }
0x20: {  	[tilespmem:$0xD7A0] =	vst v0  }
0x21: {  	[tilespmem:$0xD790] =	vst v0  }
0x22: {  	s14 =	simm.s32 $0xC880;
	[tilespmem:$0xD780] =	vst v0  }
0x23: {  	s15 =	simm.s32 $0x800;
	[tilespmem:$0xD770] =	vst v0;
	[dreg:$0x6] =	wrdreg s14  }
0x24: {  	s16 =	simm.s32 $0xC900;
	[tilespmem:$0xD760] =	vst v0;
	[dreg:$0x7] =	wrdreg s15  }
0x25: {  	s17 =	simm.s32 $0x1000;
	[tilespmem:$0xD750] =	vst v0;
	[dreg:$0x8] =	wrdreg s16  }
0x26: {  	s18 =	simm.s32 $0xC980;
	[tilespmem:$0xD740] =	vst v0;
	[dreg:$0x9] =	wrdreg s17  }
0x27: {  	s19 =	simm.s32 $0x1800;
	[tilespmem:$0xD730] =	vst v0;
	[dreg:$0xa] =	wrdreg s18  }
0x28: {  	s20 =	simm.s32 $0xCA00;
	[tilespmem:$0xD720] =	vst v0;
	[dreg:$0xb] =	wrdreg s19  }
0x29: {  	s21 =	simm.s32 $0x2000;
	[tilespmem:$0xD710] =	vst v0;
	[dreg:$0xc] =	wrdreg s20  }
0x2a: {  	s22 =	simm.s32 $0xCA80;
	[tilespmem:$0xD700] =	vst v0;
	[dreg:$0xd] =	wrdreg s21  }
0x2b: {  	s23 =	simm.s32 $0x2800;
	[tilespmem:$0xD6F0] =	vst v0;
	[dreg:$0xe] =	wrdreg s22  }
0x2c: {  	s24 =	simm.s32 $0xCB00;
	[tilespmem:$0xD6E0] =	vst v0;
	[dreg:$0xf] =	wrdreg s23  }
0x2d: {  	s25 =	simm.s32 $0x3000;
	[tilespmem:$0xD6D0] =	vst v0;
	[dreg:$0x10] =	wrdreg s24  }
0x2e: {  	s26 =	simm.s32 $0xCB80;
	[tilespmem:$0xD6C0] =	vst v0;
	[dreg:$0x11] =	wrdreg s25  }
0x2f: {  	s8 =	simm.s32 $0xCC80;
	[tilespmem:$0xD6B0] =	vst v0;
	[dreg:$0x12] =	wrdreg s26  }
0x30: {  	s9 =	simm.s32 $0x4800;
	[tilespmem:$0xD6A0] =	vst v0;
	[dreg:$0x16] =	wrdreg s8  }
0x31: {  	s10 =	simm.s32 $0xCD00;
	[tilespmem:$0xD690] =	vst v0;
	[dreg:$0x17] =	wrdreg s9  }
0x32: {  	s0 =	srdreg.scid;
	s11 =	simm.s32 $0x5000;
	[tilespmem:$0xD680] =	vst v0;
	[dreg:$0x18] =	wrdreg s10  }
0x33: {  	s3 =	stileid.u32;
	s12 =	simm.s32 $0xCD80;
	[tilespmem:$0xD670] =	vst v0;
	[dreg:$0x19] =	wrdreg s11  }
0x34: {  	s0 =	sand.u32 $0x1, s0;
	[tilespmem:$0xD660] =	vst v0;
	[dreg:$0x1a] =	wrdreg s12;
	s14 =	simm.s32 $0xCE00  }
0x35: {  	s5 =	sshll.u32 s0, $0x4;
	[tilespmem:$0xD650] =	vst v0;
	s15 =	simm.s32 $0x6000;
	[dreg:$0x1c] =	wrdreg s14  }
0x36: {  	[tilespmem:$0xD640] =	vst v0;
	s16 =	simm.s32 $0xCE80;
	s5 =	sor.u32 s3, s5;
	[dreg:$0x1d] =	wrdreg s15  }
0x37: {  	[tilespmem:$0xD540] =	vst v0;
	s18 =	simm.s32 $0x6800;
	[dreg:$0x1e] =	wrdreg s16;
	s6 =	smul.u32 $0x1900, s5  }
0x38: {  	[tilespmem:$0xD530] =	vst v0;
	s19 =	simm.s32 $0xCF00;
	[dreg:$0x1f] =	wrdreg s18;
	s5 =	smul.u32 $0x190, s5  }
0x39: {  	s7 =	sshll.u32 s3, $0x7;
	[tilespmem:$0xD520] =	vst v0;
	[smem:$0x7FD] =	sst s19;
	s6 =	sadd.s32 s6, s4  }
0x3a: {  	[tilespmem:$0xD510] =	vst v0;
	s5 =	sadd.s32 s5, s4;
	s4 =	sadd.s32 s7, s4;
	s7 =	simm.s32 $0x4000  }
0x3b: {  	[tilespmem:$0xD500] =	vst v0;
	s6 =	sadd.s32 $0x190600, s6;
	[dreg:$0x15] =	wrdreg s7  }
0x3c: {  	s13 =	sshll.u32 s0, $0xB;
	[tilespmem:$0xD4F0] =	vst v0;
	s5 =	sadd.s32 $0x600, s5;
	[dreg:$0x3] =	wrdreg s6  }
0x3d: {  	[tilespmem:$0xD4E0] =	vst v0;
	s4 =	sadd.s32 s13, s4;
	s13 =	simm.s32 $0x5800;
	[dreg:$0x4] =	wrdreg s5  }
0x3e: {  	[tilespmem:$0xD4D0] =	vst v0;
	s4 =	sadd.s32 $0x3800, s4;
	[dreg:$0x1b] =	wrdreg s13  }
0x3f: {  	[tilespmem:$0xD4C0] =	vst v0;
	s5 =	simm.s32 $0x3800;
	[dreg:$0x5] =	wrdreg s4  }
0x40: {  	[tilespmem:$0xD4B0] =	vst v0;
	s6 =	simm.s32 $0xCC00;
	[dreg:$0x13] =	wrdreg s5  }
0x41: {  	s17 =	sshll.u32 s3, $0xA;
	[tilespmem:$0xD4A0] =	vst v0;
	[dreg:$0x14] =	wrdreg s6  }
0x42: {  	[tilespmem:$0xD490] =	vst v0;
	s6 =	sadd.s32 s17, s2;
	s5 =	simm.s32 $0xD480;
	s4 =	simm.s32 $0x2  }
0x43: {  	[spmem:s6] =	stream.linear.scatter [tilespmem:s5], [sflag:$0x2], $0x400, $0x38;
	[tilespmem:$0xDC80] =	vst v63  }
0x44: {  	_ =	swait.ge [sflag:s4], $0x400  }
0x45: {  	[sflag:s4] =	ssyncset.done $0x0  }
0x46: {  	[sflag:s4] =	ssyncadd.s32 $0xFFFFFC00  }
0x47: {  	[bflag:$0x0] =	sbarrier.arrive $0xFFFF  }
0x48: {  	s20 =	rddreg [dreg:$0x3]  }
0x49: {  	[tilespmem:s1], [sflag:$0x2] =	stream.linear.gather [hbm4b:s20+s1], $0xC800, $0x38;
	[tilespmem:$0xDC80] =	vst v63  }
0x4a: {  	_ =	swait.ge [sflag:s4], $0xC800  }
0x4b: {  	[sflag:s4] =	ssyncset.done $0x0  }
0x4c: {  	s7 =	simm.s32 $0xC800;
	s8 =	rddreg [dreg:$0x4];
	[sflag:s4] =	ssyncadd.s32 $0xFFFF3800  }
0x4d: {  	[tilespmem:s7], [sflag:$0x2] =	stream.linear.gather [hbm4b:s8+s1], $0xC80, $0x38;
	[tilespmem:$0xDC80] =	vst v63  }
0x4e: {  	_ =	swait.ge [sflag:s4], $0xC80  }
0x4f: {  	s9 =	rddreg [dreg:$0xb]  }
0x50: {  	s10 =	rddreg [dreg:$0x9]  }
0x51: {  	s11 =	rddreg [dreg:$0x6];
	[sflag:s4] =	ssyncset.done $0x0  }
0x52: {  	s8 =	simm.s32 $0x80;
	s12 =	rddreg [dreg:$0x7];
	[sflag:s4] =	ssyncadd.s32 $0xFFFFF380  }
0x53: {  	[spmem:s2] =	stream.indirect.scatter.add.f32 [tilespmem:s1], [sflag:$0x1], $0x10, s7, s8, $0xb8;
	[tilespmem:$0xDC80] =	vst v63  }
0x54: {  	s13 =	rddreg [dreg:$0x8]  }
0x55: {  	[spmem:s2] =	stream.indirect.scatter.add.f32 [tilespmem:s12], [sflag:$0x1], $0x10, s11, s8, $0xb8;
	[tilespmem:$0xDC80] =	vst v63  }
0x56: {  	s14 =	rddreg [dreg:$0xa]  }
0x57: {  	[spmem:s2] =	stream.indirect.scatter.add.f32 [tilespmem:s10], [sflag:$0x1], $0x10, s13, s8, $0xb8;
	[tilespmem:$0xDC80] =	vst v63  }
0x58: {  	s21 =	rddreg [dreg:$0xd]  }
0x59: {  	[spmem:s2] =	stream.indirect.scatter.add.f32 [tilespmem:s9], [sflag:$0x1], $0x10, s14, s8, $0xb8;
	[tilespmem:$0xDC80] =	vst v63  }
0x5a: {  	s22 =	rddreg [dreg:$0xc];
	s9 =	simm.s32 $0x1  }
0x5b: {  	[spmem:s2] =	stream.indirect.scatter.add.f32 [tilespmem:s21], [sflag:$0x1], $0x10, s22, s8, $0xb8;
	[tilespmem:$0xDC80] =	vst v63  }
0x5c: {  	_ =	swait.ge [sflag:s9], $0x800  }
0x5d: {  	[sflag:s9] =	ssyncset.done $0x0  }
0x5e: {  	[sflag:s9] =	ssyncadd.s32 $0xFFFFF800  }
0x5f: {  	_ =	swait.ge [sflag:s9], $0x800  }
0x60: {  	[sflag:s9] =	ssyncset.done $0x0  }
0x61: {  	[sflag:s9] =	ssyncadd.s32 $0xFFFFF800  }
0x62: {  	_ =	swait.ge [sflag:s9], $0x800  }
0x63: {  	[sflag:s9] =	ssyncset.done $0x0  }
0x64: {  	[sflag:s9] =	ssyncadd.s32 $0xFFFFF800  }
0x65: {  	_ =	swait.ge [sflag:s9], $0x800  }
0x66: {  	[sflag:s9] =	ssyncset.done $0x0  }
0x67: {  	[sflag:s9] =	ssyncadd.s32 $0xFFFFF800  }
0x68: {  	_ =	swait.ge [sflag:s9], $0x800  }
0x69: {  	s23 =	rddreg [dreg:$0x15]  }
0x6a: {  	s24 =	rddreg [dreg:$0x11]  }
0x6b: {  	s25 =	rddreg [dreg:$0xe]  }
0x6c: {  	s26 =	rddreg [dreg:$0xf]  }
0x6d: {  	s3 =	rddreg [dreg:$0x13];
	[sflag:s9] =	ssyncset.done $0x0  }
0x6e: {  	s15 =	rddreg [dreg:$0x10];
	[sflag:s9] =	ssyncadd.s32 $0xFFFFF800  }
0x6f: {  	[spmem:s2] =	stream.indirect.scatter.add.f32 [tilespmem:s26], [sflag:$0x1], $0x10, s25, s8, $0xb8;
	[tilespmem:$0xDC80] =	vst v63  }
0x70: {  	s16 =	rddreg [dreg:$0x12]  }
0x71: {  	[spmem:s2] =	stream.indirect.scatter.add.f32 [tilespmem:s24], [sflag:$0x1], $0x10, s15, s8, $0xb8;
	[tilespmem:$0xDC80] =	vst v63  }
0x72: {  	s13 =	rddreg [dreg:$0x14]  }
0x73: {  	[spmem:s2] =	stream.indirect.scatter.add.f32 [tilespmem:s3], [sflag:$0x1], $0x10, s16, s8, $0xb8;
	[tilespmem:$0xDC80] =	vst v63  }
0x74: {  	s15 =	rddreg [dreg:$0x17]  }
0x75: {  	[spmem:s2] =	stream.indirect.scatter.add.f32 [tilespmem:s23], [sflag:$0x1], $0x10, s13, s8, $0xb8;
	[tilespmem:$0xDC80] =	vst v63  }
0x76: {  	s16 =	rddreg [dreg:$0x16]  }
0x77: {  	[spmem:s2] =	stream.indirect.scatter.add.f32 [tilespmem:s15], [sflag:$0x1], $0x10, s16, s8, $0xb8;
	[tilespmem:$0xDC80] =	vst v63  }
0x78: {  	_ =	swait.ge [sflag:s9], $0x800  }
0x79: {  	[sflag:s9] =	ssyncset.done $0x0  }
0x7a: {  	[sflag:s9] =	ssyncadd.s32 $0xFFFFF800  }
0x7b: {  	_ =	swait.ge [sflag:s9], $0x800  }
0x7c: {  	[sflag:s9] =	ssyncset.done $0x0  }
0x7d: {  	[sflag:s9] =	ssyncadd.s32 $0xFFFFF800  }
0x7e: {  	_ =	swait.ge [sflag:s9], $0x800  }
0x7f: {  	[sflag:s9] =	ssyncset.done $0x0  }
0x80: {  	[sflag:s9] =	ssyncadd.s32 $0xFFFFF800  }
0x81: {  	_ =	swait.ge [sflag:s9], $0x800  }
0x82: {  	[sflag:s9] =	ssyncset.done $0x0  }
0x83: {  	[sflag:s9] =	ssyncadd.s32 $0xFFFFF800  }
0x84: {  	_ =	swait.ge [sflag:s9], $0x800  }
0x85: {  	s17 =	rddreg [dreg:$0x1a]  }
0x86: {  	s18 =	rddreg [dreg:$0x1b]  }
0x87: {  	s19 =	rddreg [dreg:$0x18]  }
0x88: {  	s20 =	rddreg [dreg:$0x19]  }
0x89: {  	[sflag:s9] =	ssyncset.done $0x0;
	s21 =	rddreg [dreg:$0x1f]  }
0x8a: {  	s22 =	rddreg [dreg:$0x1d];
	[sflag:s9] =	ssyncadd.s32 $0xFFFFF800  }
0x8b: {  	[spmem:s2] =	stream.indirect.scatter.add.f32 [tilespmem:s20], [sflag:$0x1], $0x10, s19, s8, $0xb8;
	[tilespmem:$0xDC80] =	vst v63  }
0x8c: {  	s23 =	rddreg [dreg:$0x1c]  }
0x8d: {  	[spmem:s2] =	stream.indirect.scatter.add.f32 [tilespmem:s18], [sflag:$0x1], $0x10, s17, s8, $0xb8;
	[tilespmem:$0xDC80] =	vst v63  }
0x8e: {  	s24 =	rddreg [dreg:$0x1e]  }
0x8f: {  	[spmem:s2] =	stream.indirect.scatter.add.f32 [tilespmem:s22], [sflag:$0x1], $0x10, s23, s8, $0xb8;
	[tilespmem:$0xDC80] =	vst v63  }
0x90: {  	s25 =	sld [smem:$0x7FD]  }
0x91: {  	[spmem:s2] =	stream.indirect.scatter.add.f32 [tilespmem:s21], [sflag:$0x1], $0x10, s24, s8, $0xb8;
	[tilespmem:$0xDC80] =	vst v63  }
0x92: {  	s26 =	simm.s32 $0x7000  }
0x93: {  	[spmem:s2] =	stream.indirect.scatter.add.f32 [tilespmem:s26], [sflag:$0x1], $0x10, s25, s8, $0xb8;
	[tilespmem:$0xDC80] =	vst v63  }
0x94: {  	_ =	swait.ge [sflag:s9], $0x800  }
0x95: {  	[sflag:s9] =	ssyncset.done $0x0  }
0x96: {  	[sflag:s9] =	ssyncadd.s32 $0xFFFFF800  }
0x97: {  	_ =	swait.ge [sflag:s9], $0x800  }
0x98: {  	[sflag:s9] =	ssyncset.done $0x0  }
0x99: {  	[sflag:s9] =	ssyncadd.s32 $0xFFFFF800  }
0x9a: {  	_ =	swait.ge [sflag:s9], $0x800  }
0x9b: {  	[sflag:s9] =	ssyncset.done $0x0  }
0x9c: {  	[sflag:s9] =	ssyncadd.s32 $0xFFFFF800  }
0x9d: {  	_ =	swait.ge [sflag:s9], $0x800  }
0x9e: {  	[sflag:s9] =	ssyncset.done $0x0  }
0x9f: {  	[sflag:s9] =	ssyncadd.s32 $0xFFFFF800  }
0xa0: {  	_ =	swait.ge [sflag:s9], $0x800  }
0xa1: {  	[sflag:s9] =	ssyncset.done $0x0  }
0xa2: {  	s11 =	simm.s32 $0x7800;
	s10 =	simm.s32 $0xCF80;
	[sflag:s9] =	ssyncadd.s32 $0xFFFFF800  }
0xa3: {  	[spmem:s2] =	stream.indirect.scatter.add.f32 [tilespmem:s11], [sflag:$0x1], $0x10, s10, s8, $0xb8;
	[tilespmem:$0xDC80] =	vst v63  }
0xa4: {  	s12 =	simm.s32 $0xD000;
	s13 =	simm.s32 $0x8000  }
0xa5: {  	[spmem:s2] =	stream.indirect.scatter.add.f32 [tilespmem:s13], [sflag:$0x1], $0x10, s12, s8, $0xb8;
	[tilespmem:$0xDC80] =	vst v63  }
0xa6: {  	s14 =	simm.s32 $0xD080;
	s16 =	simm.s32 $0x8800  }
0xa7: {  	[spmem:s2] =	stream.indirect.scatter.add.f32 [tilespmem:s16], [sflag:$0x1], $0x10, s14, s8, $0xb8;
	[tilespmem:$0xDC80] =	vst v63  }
0xa8: {  	s17 =	simm.s32 $0xD100;
	s18 =	simm.s32 $0x9000  }
0xa9: {  	[spmem:s2] =	stream.indirect.scatter.add.f32 [tilespmem:s18], [sflag:$0x1], $0x10, s17, s8, $0xb8;
	[tilespmem:$0xDC80] =	vst v63  }
0xaa: {  	s19 =	simm.s32 $0xD180;
	s20 =	simm.s32 $0x9800  }
0xab: {  	[spmem:s2] =	stream.indirect.scatter.add.f32 [tilespmem:s20], [sflag:$0x1], $0x10, s19, s8, $0xb8;
	[tilespmem:$0xDC80] =	vst v63  }
0xac: {  	_ =	swait.ge [sflag:s9], $0x800  }
0xad: {  	[sflag:s9] =	ssyncset.done $0x0  }
0xae: {  	[sflag:s9] =	ssyncadd.s32 $0xFFFFF800  }
0xaf: {  	_ =	swait.ge [sflag:s9], $0x800  }
0xb0: {  	[sflag:s9] =	ssyncset.done $0x0  }
0xb1: {  	[sflag:s9] =	ssyncadd.s32 $0xFFFFF800  }
0xb2: {  	_ =	swait.ge [sflag:s9], $0x800  }
0xb3: {  	[sflag:s9] =	ssyncset.done $0x0  }
0xb4: {  	[sflag:s9] =	ssyncadd.s32 $0xFFFFF800  }
0xb5: {  	_ =	swait.ge [sflag:s9], $0x800  }
0xb6: {  	[sflag:s9] =	ssyncset.done $0x0  }
0xb7: {  	[sflag:s9] =	ssyncadd.s32 $0xFFFFF800  }
0xb8: {  	_ =	swait.ge [sflag:s9], $0x800  }
0xb9: {  	[sflag:s9] =	ssyncset.done $0x0  }
0xba: {  	s22 =	simm.s32 $0xA000;
	s21 =	simm.s32 $0xD200;
	[sflag:s9] =	ssyncadd.s32 $0xFFFFF800  }
0xbb: {  	[spmem:s2] =	stream.indirect.scatter.add.f32 [tilespmem:s22], [sflag:$0x1], $0x10, s21, s8, $0xb8;
	[tilespmem:$0xDC80] =	vst v63  }
0xbc: {  	s23 =	simm.s32 $0xD280;
	s24 =	simm.s32 $0xA800  }
0xbd: {  	[spmem:s2] =	stream.indirect.scatter.add.f32 [tilespmem:s24], [sflag:$0x1], $0x10, s23, s8, $0xb8;
	[tilespmem:$0xDC80] =	vst v63  }
0xbe: {  	s25 =	simm.s32 $0xD300;
	s26 =	simm.s32 $0xB000  }
0xbf: {  	[spmem:s2] =	stream.indirect.scatter.add.f32 [tilespmem:s26], [sflag:$0x1], $0x10, s25, s8, $0xb8;
	[tilespmem:$0xDC80] =	vst v63  }
0xc0: {  	s28 =	simm.s32 $0xD380;
	s29 =	simm.s32 $0xB800  }
0xc1: {  	[spmem:s2] =	stream.indirect.scatter.add.f32 [tilespmem:s29], [sflag:$0x1], $0x10, s28, s8, $0xb8;
	[tilespmem:$0xDC80] =	vst v63  }
0xc2: {  	s30 =	simm.s32 $0xD400;
	s31 =	simm.s32 $0xC000  }
0xc3: {  	[spmem:s2] =	stream.indirect.scatter.add.f32 [tilespmem:s31], [sflag:$0x1], $0x10, s30, s8, $0xb8;
	[tilespmem:$0xDC80] =	vst v63  }
0xc4: {  	_ =	swait.ge [sflag:s9], $0x800  }
0xc5: {  	[sflag:s9] =	ssyncset.done $0x0  }
0xc6: {  	[sflag:s9] =	ssyncadd.s32 $0xFFFFF800  }
0xc7: {  	s0 =	ssub.s32 $0x2, s0;
	_ =	swait.ge [sflag:s9], $0x800  }
0xc8: {  	s15 =	sshrl.u32 s0, $0x1;
	[sflag:s9] =	ssyncset.done $0x0  }
0xc9: {  	s0 =	ssub.s32 s0, s15;
	[sflag:s9] =	ssyncadd.s32 $0xFFFFF800  }
0xca: {  	s0 =	smax.u32 s0, $0x1;
	_ =	swait.ge [sflag:s9], $0x800  }
0xcb: {  	p0 =	sne.s32 s0, $0x1;
	[sflag:s9] =	ssyncset.done $0x0  }
.Ltmp0:
0xcc: {  	[sflag:s9] =	ssyncadd.s32 $0xFFFFF800;
	(pc) =	sbr.rel @!p0 .LBB2_2-.Ltmp0, $4  }
0xcd: {  	_ =	swait.ge [sflag:s9], $0x800  }
0xce: {  	[sflag:s9] =	ssyncset.done $0x0  }
0xcf: {  	[sflag:s9] =	ssyncadd.s32 $0xFFFFF800  }
0xd0: {  	s0 =	sadd.s32 $0xFFFFFFFF, s0;
	_ =	swait.ge [sflag:s9], $0x800  }
.LBB2_1:
0xd1: {  	[sflag:s9] =	ssyncset.done $0x0  }
0xd2: {  	[sflag:s9] =	ssyncadd.s32 $0xFFFFF800  }
0xd3: {  	[bflag:$0x0] =	sbarrier.arrive $0xFFFF  }
0xd4: {  	[tilespmem:s5], [sflag:$0x2] =	stream.linear.gather [spmem:s6], $0x400, $0x38;
	[tilespmem:$0xDC80] =	vst v63  }
0xd5: {  	_ =	swait.ge [sflag:s4], $0x400  }
0xd6: {  	[sflag:s4] =	ssyncset.done $0x0  }
0xd7: {  	s3 =	rddreg [dreg:$0x5];
	[sflag:s4] =	ssyncadd.s32 $0xFFFFFC00  }
0xd8: {  	[hbm4b:s3+s1] =	stream.linear.scatter [tilespmem:s5], [sflag:$0x2], $0x400, $0x38;
	[tilespmem:$0xDC80] =	vst v63  }
0xd9: {  	_ =	swait.ge [sflag:s4], $0x400  }
0xda: {  	[sflag:s4] =	ssyncset.done $0x0  }
0xdb: {  	[sflag:s4] =	ssyncadd.s32 $0xFFFFFC00  }
0xdc: {  	[tilespmem:$0xD550] =	vst v0  }
0xdd: {  	[tilespmem:$0xD560] =	vst v0  }
0xde: {  	[tilespmem:$0xD570] =	vst v0  }
0xdf: {  	[tilespmem:$0xD580] =	vst v0  }
0xe0: {  	[tilespmem:$0xD590] =	vst v0  }
0xe1: {  	[tilespmem:$0xD5A0] =	vst v0  }
0xe2: {  	[tilespmem:$0xD5B0] =	vst v0  }
0xe3: {  	[tilespmem:$0xD5C0] =	vst v0  }
0xe4: {  	[tilespmem:$0xD5D0] =	vst v0  }
0xe5: {  	[tilespmem:$0xD5E0] =	vst v0  }
0xe6: {  	[tilespmem:$0xD5F0] =	vst v0  }
0xe7: {  	[tilespmem:$0xD600] =	vst v0  }
0xe8: {  	[tilespmem:$0xD610] =	vst v0  }
0xe9: {  	[tilespmem:$0xD620] =	vst v0  }
0xea: {  	[tilespmem:$0xD630] =	vst v0  }
0xeb: {  	[tilespmem:$0xD480] =	vst v0  }
0xec: {  	[tilespmem:$0xD870] =	vst v0  }
0xed: {  	[tilespmem:$0xD860] =	vst v0  }
0xee: {  	[tilespmem:$0xD850] =	vst v0  }
0xef: {  	[tilespmem:$0xD840] =	vst v0  }
0xf0: {  	[tilespmem:$0xD830] =	vst v0  }
0xf1: {  	[tilespmem:$0xD820] =	vst v0  }
0xf2: {  	[tilespmem:$0xD810] =	vst v0  }
0xf3: {  	[tilespmem:$0xD800] =	vst v0  }
0xf4: {  	[tilespmem:$0xD7F0] =	vst v0  }
0xf5: {  	[tilespmem:$0xD7E0] =	vst v0  }
0xf6: {  	[tilespmem:$0xD7D0] =	vst v0  }
0xf7: {  	[tilespmem:$0xD7C0] =	vst v0  }
0xf8: {  	[tilespmem:$0xD7B0] =	vst v0  }
0xf9: {  	[tilespmem:$0xD7A0] =	vst v0  }
0xfa: {  	[tilespmem:$0xD790] =	vst v0  }
0xfb: {  	[tilespmem:$0xD780] =	vst v0  }
0xfc: {  	[tilespmem:$0xD770] =	vst v0  }
0xfd: {  	[tilespmem:$0xD760] =	vst v0  }
0xfe: {  	[tilespmem:$0xD750] =	vst v0  }
0xff: {  	[tilespmem:$0xD740] =	vst v0  }
0x100: {  	[tilespmem:$0xD730] =	vst v0  }
0x101: {  	[tilespmem:$0xD720] =	vst v0  }
0x102: {  	[tilespmem:$0xD710] =	vst v0  }
0x103: {  	[tilespmem:$0xD700] =	vst v0  }
0x104: {  	[tilespmem:$0xD6F0] =	vst v0  }
0x105: {  	[tilespmem:$0xD6E0] =	vst v0  }
0x106: {  	[tilespmem:$0xD6D0] =	vst v0  }
0x107: {  	[tilespmem:$0xD6C0] =	vst v0  }
0x108: {  	[tilespmem:$0xD6B0] =	vst v0  }
0x109: {  	[tilespmem:$0xD6A0] =	vst v0  }
0x10a: {  	[tilespmem:$0xD690] =	vst v0  }
0x10b: {  	[tilespmem:$0xD680] =	vst v0  }
0x10c: {  	[tilespmem:$0xD670] =	vst v0  }
0x10d: {  	[tilespmem:$0xD660] =	vst v0  }
0x10e: {  	[tilespmem:$0xD650] =	vst v0  }
0x10f: {  	[tilespmem:$0xD640] =	vst v0  }
0x110: {  	[tilespmem:$0xD540] =	vst v0  }
0x111: {  	[tilespmem:$0xD530] =	vst v0  }
0x112: {  	[tilespmem:$0xD520] =	vst v0  }
0x113: {  	[tilespmem:$0xD510] =	vst v0  }
0x114: {  	[tilespmem:$0xD500] =	vst v0  }
0x115: {  	[tilespmem:$0xD4F0] =	vst v0  }
0x116: {  	[tilespmem:$0xD4E0] =	vst v0  }
0x117: {  	[tilespmem:$0xD4D0] =	vst v0  }
0x118: {  	[tilespmem:$0xD4C0] =	vst v0  }
0x119: {  	[tilespmem:$0xD4B0] =	vst v0  }
0x11a: {  	[tilespmem:$0xD4A0] =	vst v0  }
0x11b: {  	[tilespmem:$0xD490] =	vst v0  }
0x11c: {  	[spmem:s6] =	stream.linear.scatter [tilespmem:s5], [sflag:$0x2], $0x400, $0x38;
	[tilespmem:$0xDC80] =	vst v63  }
0x11d: {  	_ =	swait.ge [sflag:s4], $0x400  }
0x11e: {  	[sflag:s4] =	ssyncset.done $0x0  }
0x11f: {  	[sflag:s4] =	ssyncadd.s32 $0xFFFFFC00  }
0x120: {  	[bflag:$0x0] =	sbarrier.arrive $0xFFFF  }
0x121: {  	s10 =	rddreg [dreg:$0x3]  }
0x122: {  	[tilespmem:s1], [sflag:$0x2] =	stream.linear.gather [hbm4b:s10+s1], $0xC800, $0x38;
	[tilespmem:$0xDC80] =	vst v63  }
0x123: {  	_ =	swait.ge [sflag:s4], $0xC800  }
0x124: {  	[sflag:s4] =	ssyncset.done $0x0  }
0x125: {  	s11 =	rddreg [dreg:$0x4];
	[sflag:s4] =	ssyncadd.s32 $0xFFFF3800  }
0x126: {  	[tilespmem:s7], [sflag:$0x2] =	stream.linear.gather [hbm4b:s11+s1], $0xC80, $0x38;
	[tilespmem:$0xDC80] =	vst v63  }
0x127: {  	_ =	swait.ge [sflag:s4], $0xC80  }
0x128: {  	s3 =	rddreg [dreg:$0xb]  }
0x129: {  	s10 =	rddreg [dreg:$0x9]  }
0x12a: {  	[sflag:s4] =	ssyncset.done $0x0;
	s11 =	rddreg [dreg:$0x6]  }
0x12b: {  	s12 =	rddreg [dreg:$0x7];
	[sflag:s4] =	ssyncadd.s32 $0xFFFFF380  }
0x12c: {  	[spmem:s2] =	stream.indirect.scatter.add.f32 [tilespmem:s1], [sflag:$0x1], $0x10, s7, s8, $0xb8;
	[tilespmem:$0xDC80] =	vst v63  }
0x12d: {  	s13 =	rddreg [dreg:$0x8]  }
0x12e: {  	[spmem:s2] =	stream.indirect.scatter.add.f32 [tilespmem:s12], [sflag:$0x1], $0x10, s11, s8, $0xb8;
	[tilespmem:$0xDC80] =	vst v63  }
0x12f: {  	s14 =	rddreg [dreg:$0xa]  }
0x130: {  	[spmem:s2] =	stream.indirect.scatter.add.f32 [tilespmem:s10], [sflag:$0x1], $0x10, s13, s8, $0xb8;
	[tilespmem:$0xDC80] =	vst v63  }
0x131: {  	s15 =	rddreg [dreg:$0xc]  }
0x132: {  	[spmem:s2] =	stream.indirect.scatter.add.f32 [tilespmem:s3], [sflag:$0x1], $0x10, s14, s8, $0xb8;
	[tilespmem:$0xDC80] =	vst v63  }
0x133: {  	s12 =	rddreg [dreg:$0xd]  }
0x134: {  	[spmem:s2] =	stream.indirect.scatter.add.f32 [tilespmem:s12], [sflag:$0x1], $0x10, s15, s8, $0xb8;
	[tilespmem:$0xDC80] =	vst v63  }
0x135: {  	_ =	swait.ge [sflag:s9], $0x800  }
0x136: {  	[sflag:s9] =	ssyncset.done $0x0  }
0x137: {  	[sflag:s9] =	ssyncadd.s32 $0xFFFFF800  }
0x138: {  	_ =	swait.ge [sflag:s9], $0x800  }
0x139: {  	[sflag:s9] =	ssyncset.done $0x0  }
0x13a: {  	[sflag:s9] =	ssyncadd.s32 $0xFFFFF800  }
0x13b: {  	_ =	swait.ge [sflag:s9], $0x800  }
0x13c: {  	[sflag:s9] =	ssyncset.done $0x0  }
0x13d: {  	[sflag:s9] =	ssyncadd.s32 $0xFFFFF800  }
0x13e: {  	_ =	swait.ge [sflag:s9], $0x800  }
0x13f: {  	[sflag:s9] =	ssyncset.done $0x0  }
0x140: {  	[sflag:s9] =	ssyncadd.s32 $0xFFFFF800  }
0x141: {  	_ =	swait.ge [sflag:s9], $0x800  }
0x142: {  	s3 =	rddreg [dreg:$0x15]  }
0x143: {  	s10 =	rddreg [dreg:$0x11]  }
0x144: {  	s11 =	rddreg [dreg:$0xe]  }
0x145: {  	s12 =	rddreg [dreg:$0xf]  }
0x146: {  	[sflag:s9] =	ssyncset.done $0x0;
	s13 =	rddreg [dreg:$0x13]  }
0x147: {  	s14 =	rddreg [dreg:$0x10];
	[sflag:s9] =	ssyncadd.s32 $0xFFFFF800  }
0x148: {  	[spmem:s2] =	stream.indirect.scatter.add.f32 [tilespmem:s12], [sflag:$0x1], $0x10, s11, s8, $0xb8;
	[tilespmem:$0xDC80] =	vst v63  }
0x149: {  	s15 =	rddreg [dreg:$0x12]  }
0x14a: {  	[spmem:s2] =	stream.indirect.scatter.add.f32 [tilespmem:s10], [sflag:$0x1], $0x10, s14, s8, $0xb8;
	[tilespmem:$0xDC80] =	vst v63  }
0x14b: {  	s12 =	rddreg [dreg:$0x14]  }
0x14c: {  	[spmem:s2] =	stream.indirect.scatter.add.f32 [tilespmem:s13], [sflag:$0x1], $0x10, s15, s8, $0xb8;
	[tilespmem:$0xDC80] =	vst v63  }
0x14d: {  	s14 =	rddreg [dreg:$0x17]  }
0x14e: {  	[spmem:s2] =	stream.indirect.scatter.add.f32 [tilespmem:s3], [sflag:$0x1], $0x10, s12, s8, $0xb8;
	[tilespmem:$0xDC80] =	vst v63  }
0x14f: {  	s15 =	rddreg [dreg:$0x16]  }
0x150: {  	[spmem:s2] =	stream.indirect.scatter.add.f32 [tilespmem:s14], [sflag:$0x1], $0x10, s15, s8, $0xb8;
	[tilespmem:$0xDC80] =	vst v63  }
0x151: {  	_ =	swait.ge [sflag:s9], $0x800  }
0x152: {  	[sflag:s9] =	ssyncset.done $0x0  }
0x153: {  	[sflag:s9] =	ssyncadd.s32 $0xFFFFF800  }
0x154: {  	_ =	swait.ge [sflag:s9], $0x800  }
0x155: {  	[sflag:s9] =	ssyncset.done $0x0  }
0x156: {  	[sflag:s9] =	ssyncadd.s32 $0xFFFFF800  }
0x157: {  	_ =	swait.ge [sflag:s9], $0x800  }
0x158: {  	[sflag:s9] =	ssyncset.done $0x0  }
0x159: {  	[sflag:s9] =	ssyncadd.s32 $0xFFFFF800  }
0x15a: {  	_ =	swait.ge [sflag:s9], $0x800  }
0x15b: {  	[sflag:s9] =	ssyncset.done $0x0  }
0x15c: {  	[sflag:s9] =	ssyncadd.s32 $0xFFFFF800  }
0x15d: {  	_ =	swait.ge [sflag:s9], $0x800  }
0x15e: {  	s3 =	sld [smem:$0x7FD]  }
0x15f: {  	s10 =	rddreg [dreg:$0x1a]  }
0x160: {  	s11 =	rddreg [dreg:$0x1b]  }
0x161: {  	s12 =	rddreg [dreg:$0x18]  }
0x162: {  	[sflag:s9] =	ssyncset.done $0x0;
	s13 =	rddreg [dreg:$0x19]  }
0x163: {  	s14 =	rddreg [dreg:$0x1f];
	[sflag:s9] =	ssyncadd.s32 $0xFFFFF800  }
0x164: {  	[spmem:s2] =	stream.indirect.scatter.add.f32 [tilespmem:s13], [sflag:$0x1], $0x10, s12, s8, $0xb8;
	[tilespmem:$0xDC80] =	vst v63  }
0x165: {  	s15 =	rddreg [dreg:$0x1d]  }
0x166: {  	[spmem:s2] =	stream.indirect.scatter.add.f32 [tilespmem:s11], [sflag:$0x1], $0x10, s10, s8, $0xb8;
	[tilespmem:$0xDC80] =	vst v63  }
0x167: {  	s12 =	rddreg [dreg:$0x1c]  }
0x168: {  	[spmem:s2] =	stream.indirect.scatter.add.f32 [tilespmem:s15], [sflag:$0x1], $0x10, s12, s8, $0xb8;
	[tilespmem:$0xDC80] =	vst v63  }
0x169: {  	s13 =	rddreg [dreg:$0x1e]  }
0x16a: {  	[spmem:s2] =	stream.indirect.scatter.add.f32 [tilespmem:s14], [sflag:$0x1], $0x10, s13, s8, $0xb8;
	[tilespmem:$0xDC80] =	vst v63  }
0x16b: {  	s15 =	simm.s32 $0x7000  }
0x16c: {  	[spmem:s2] =	stream.indirect.scatter.add.f32 [tilespmem:s15], [sflag:$0x1], $0x10, s3, s8, $0xb8;
	[tilespmem:$0xDC80] =	vst v63  }
0x16d: {  	_ =	swait.ge [sflag:s9], $0x800  }
0x16e: {  	[sflag:s9] =	ssyncset.done $0x0  }
0x16f: {  	[sflag:s9] =	ssyncadd.s32 $0xFFFFF800  }
0x170: {  	_ =	swait.ge [sflag:s9], $0x800  }
0x171: {  	[sflag:s9] =	ssyncset.done $0x0  }
0x172: {  	[sflag:s9] =	ssyncadd.s32 $0xFFFFF800  }
0x173: {  	_ =	swait.ge [sflag:s9], $0x800  }
0x174: {  	[sflag:s9] =	ssyncset.done $0x0  }
0x175: {  	[sflag:s9] =	ssyncadd.s32 $0xFFFFF800  }
0x176: {  	_ =	swait.ge [sflag:s9], $0x800  }
0x177: {  	[sflag:s9] =	ssyncset.done $0x0  }
0x178: {  	[sflag:s9] =	ssyncadd.s32 $0xFFFFF800  }
0x179: {  	_ =	swait.ge [sflag:s9], $0x800  }
0x17a: {  	[sflag:s9] =	ssyncset.done $0x0  }
0x17b: {  	s11 =	simm.s32 $0xCF80;
	s12 =	simm.s32 $0x7800;
	[sflag:s9] =	ssyncadd.s32 $0xFFFFF800  }
0x17c: {  	[spmem:s2] =	stream.indirect.scatter.add.f32 [tilespmem:s12], [sflag:$0x1], $0x10, s11, s8, $0xb8;
	[tilespmem:$0xDC80] =	vst v63  }
0x17d: {  	s13 =	simm.s32 $0xD000;
	s14 =	simm.s32 $0x8000  }
0x17e: {  	[spmem:s2] =	stream.indirect.scatter.add.f32 [tilespmem:s14], [sflag:$0x1], $0x10, s13, s8, $0xb8;
	[tilespmem:$0xDC80] =	vst v63  }
0x17f: {  	s15 =	simm.s32 $0xD080  }
0x180: {  	[spmem:s2] =	stream.indirect.scatter.add.f32 [tilespmem:s16], [sflag:$0x1], $0x10, s15, s8, $0xb8;
	[tilespmem:$0xDC80] =	vst v63  }
0x181: {  	_ = 	snop  }
0x182: {  	[spmem:s2] =	stream.indirect.scatter.add.f32 [tilespmem:s18], [sflag:$0x1], $0x10, s17, s8, $0xb8;
	[tilespmem:$0xDC80] =	vst v63  }
0x183: {  	_ = 	snop  }
0x184: {  	[spmem:s2] =	stream.indirect.scatter.add.f32 [tilespmem:s20], [sflag:$0x1], $0x10, s19, s8, $0xb8;
	[tilespmem:$0xDC80] =	vst v63  }
0x185: {  	_ =	swait.ge [sflag:s9], $0x800  }
0x186: {  	[sflag:s9] =	ssyncset.done $0x0  }
0x187: {  	[sflag:s9] =	ssyncadd.s32 $0xFFFFF800  }
0x188: {  	_ =	swait.ge [sflag:s9], $0x800  }
0x189: {  	[sflag:s9] =	ssyncset.done $0x0  }
0x18a: {  	[sflag:s9] =	ssyncadd.s32 $0xFFFFF800  }
0x18b: {  	_ =	swait.ge [sflag:s9], $0x800  }
0x18c: {  	[sflag:s9] =	ssyncset.done $0x0  }
0x18d: {  	[sflag:s9] =	ssyncadd.s32 $0xFFFFF800  }
0x18e: {  	_ =	swait.ge [sflag:s9], $0x800  }
0x18f: {  	[sflag:s9] =	ssyncset.done $0x0  }
0x190: {  	[sflag:s9] =	ssyncadd.s32 $0xFFFFF800  }
0x191: {  	_ =	swait.ge [sflag:s9], $0x800  }
0x192: {  	[sflag:s9] =	ssyncset.done $0x0  }
0x193: {  	[sflag:s9] =	ssyncadd.s32 $0xFFFFF800  }
0x194: {  	[spmem:s2] =	stream.indirect.scatter.add.f32 [tilespmem:s22], [sflag:$0x1], $0x10, s21, s8, $0xb8;
	[tilespmem:$0xDC80] =	vst v63  }
0x195: {  	_ = 	snop  }
0x196: {  	[spmem:s2] =	stream.indirect.scatter.add.f32 [tilespmem:s24], [sflag:$0x1], $0x10, s23, s8, $0xb8;
	[tilespmem:$0xDC80] =	vst v63  }
0x197: {  	_ = 	snop  }
0x198: {  	[spmem:s2] =	stream.indirect.scatter.add.f32 [tilespmem:s26], [sflag:$0x1], $0x10, s25, s8, $0xb8;
	[tilespmem:$0xDC80] =	vst v63  }
0x199: {  	_ = 	snop  }
0x19a: {  	[spmem:s2] =	stream.indirect.scatter.add.f32 [tilespmem:s29], [sflag:$0x1], $0x10, s28, s8, $0xb8;
	[tilespmem:$0xDC80] =	vst v63  }
0x19b: {  	_ = 	snop  }
0x19c: {  	[spmem:s2] =	stream.indirect.scatter.add.f32 [tilespmem:s31], [sflag:$0x1], $0x10, s30, s8, $0xb8;
	[tilespmem:$0xDC80] =	vst v63  }
0x19d: {  	_ =	swait.ge [sflag:s9], $0x800  }
0x19e: {  	[sflag:s9] =	ssyncset.done $0x0  }
0x19f: {  	[sflag:s9] =	ssyncadd.s32 $0xFFFFF800  }
0x1a0: {  	_ =	swait.ge [sflag:s9], $0x800  }
0x1a1: {  	[sflag:s9] =	ssyncset.done $0x0  }
0x1a2: {  	[sflag:s9] =	ssyncadd.s32 $0xFFFFF800  }
0x1a3: {  	_ =	swait.ge [sflag:s9], $0x800  }
0x1a4: {  	p0 =	sne.s32 s0, $0x1;
	[sflag:s9] =	ssyncset.done $0x0  }
.Ltmp1:
0x1a5: {  	[sflag:s9] =	ssyncadd.s32 $0xFFFFF800;
	(pc) =	sbr.rel @p0 .LBB2_1-.Ltmp1, $4  }
0x1a6: {  	_ =	swait.ge [sflag:s9], $0x800  }
0x1a7: {  	[sflag:s9] =	ssyncset.done $0x0  }
0x1a8: {  	[sflag:s9] =	ssyncadd.s32 $0xFFFFF800  }
0x1a9: {  	s0 =	sadd.s32 $0xFFFFFFFF, s0;
	_ =	swait.ge [sflag:s9], $0x800  }
.LBB2_2:
0x1aa: {  	[sflag:s9] =	ssyncset.done $0x0  }
0x1ab: {  	[sflag:s9] =	ssyncadd.s32 $0xFFFFF800  }
0x1ac: {  	[bflag:$0x0] =	sbarrier.arrive $0xFFFF  }
0x1ad: {  	[tilespmem:s5], [sflag:$0x2] =	stream.linear.gather [spmem:s6], $0x400, $0x38;
	[tilespmem:$0xDC80] =	vst v63  }
0x1ae: {  	_ =	swait.ge [sflag:s4], $0x400  }
0x1af: {  	[sflag:s4] =	ssyncset.done $0x0  }
0x1b0: {  	s0 =	rddreg [dreg:$0x5];
	[sflag:s4] =	ssyncadd.s32 $0xFFFFFC00  }
0x1b1: {  	[hbm4b:s0+s1] =	stream.linear.scatter [tilespmem:s5], [sflag:$0x2], $0x400, $0x38;
	[tilespmem:$0xDC80] =	vst v63  }
0x1b2: {  	_ =	swait.ge [sflag:s4], $0x400  }
0x1b3: {  	[sflag:s4] =	ssyncset.done $0x0  }
0x1b4: {  	[sflag:s4] =	ssyncadd.s32 $0xFFFFFC00  }
0x1b5: {  	_ =	sfence.sel $0x180000  }
0x1b6: {  	[bflag:$0x0] =	sbarrier.arrive $0xFFFF  }
0x1b7: {  	_ =	strace $0x90000047  }
0x1b8: {  	s31 =	stileid.u32;
	[bflag:$0x2] =	sbarrier.arrive $0xFFFF  }
0x1b9: {  	p0 =	sne.s32 s31, $0x0;
	s0 =	rddreg [dreg:$0x2]  }
0x1ba: {  	s0 =	sadd.s32 @!p0 $0x100000, s0  }
0x1bb: {  	[sflag:s0] =	ssyncadd.tile.s32 @!p0 $0x1;
	_ =	shalt  }
.Lfunc_end2:
_tile_overlayer_lowered:
.L_overlay_start_2:
0x1bc: {  	(tag) =	ssettag $0x2  }
0x1bd: {  	s0 =	rddreg [dreg:$0x0];
	s2 =	stileid.u32  }
0x1be: {  	s1 =	rddreg [dreg:$0x1];
	p0 =	sne.s32 s2, $0x0  }
0x1bf: {  	s3 =	rddreg [dreg:$0x2];
	[bflag:$0x3] =	sbarrier.arrive $0xFFFF;
	s2 =	simm.s32 @!p0 $0x1C02  }
0x1c0: {  	[timem:s3], [sflag:s2] =	dma.local @!p0 [hbm:s0], s1  }
0x1c1: {  	s0 =	simm.s32 @!p0 $0x2  }
0x1c2: {  	_ =	swait.ge @!p0 [sflag:s0], s1  }
0x1c3: {  	s1 =	ssub.s32 @!p0 $0x0, s1;
	[sflag:s0] =	ssyncset.done @!p0 $0x0  }
0x1c4: {  	[sflag:s0] =	ssyncadd.s32 @!p0 s1  }
0x1c5: {  	[bflag:$0x3] =	sbarrier.arrive $0xFFFF  }
0x1c6: {  	_ =	shalt  }

</sc_bundles>
